<compile_context>
chip_gen: v7x
topology: tpu7x:2x2x1
jax: 0.10.2.dev20260603
libtpu: 0.0.44.dev20260713+nightly
codegen_flags: <defaults>
</compile_context>

<pallas_src>
import functools

import jax
import jax.numpy as jnp
from jax import lax
from jax.experimental import pallas as pl
from jax.experimental.pallas import tpu as pltpu
from jax.experimental.pallas import tpu_sc as plsc

N = 10000
NP = 10240
E = 320000
CH = 128
NSUB = 16
E_PAD = 323584
EPT = E_PAD // NSUB
NCHUNK = EPT // CH
RPT = NP // NSUB
RPT_FULL = (RPT // CH) * CH
RPT_TAIL = RPT - RPT_FULL
LANES = 16

_MESH = lambda: plsc.VectorSubcoreMesh(core_axis_name="c", subcore_axis_name="s")


def _fill_const(ref, rows, width, val):
    @pl.loop(0, rows)
    def _(r):
        @pl.loop(0, width // LANES)
        def _(j):
            ref[r, pl.ds(j * LANES, LANES)] = jnp.full((LANES,), val, jnp.float32)


def _zero_my_slice(zsrc_v, table_sh, s):
    @pl.loop(0, RPT // CH)
    def _(j):
        pltpu.sync_copy(zsrc_v, table_sh.at[pl.ds(s * RPT + j * CH, CH)])
    if RPT_TAIL:
        pltpu.sync_copy(zsrc_v.at[pl.ds(0, RPT_TAIL)],
                        table_sh.at[pl.ds(s * RPT + RPT_FULL, RPT_TAIL)])


def _agg_body(h_hbm, srcoff_hbm, dst_hbm, acc_hbm,
              src0, dst0, rows0, src1, dst1, rows1,
              acc_sh, si0, si1, sg0, sg1):
    c = lax.axis_index("c")
    s = lax.axis_index("s")

    _fill_const(rows0, CH, 128, 0.0)
    _zero_my_slice(rows0, acc_sh, s)
    plsc.subcore_barrier()

    tb = s * EPT
    cb = c * E_PAD
    slots = ((src0, dst0, rows0, si0, sg0), (src1, dst1, rows1, si1, sg1))

    def idx_start(i, b):
        sv, dv, _, si, _ = slots[b]
        pltpu.async_copy(srcoff_hbm.at[pl.ds(cb + tb + i * CH, CH)], sv, si)
        pltpu.async_copy(dst_hbm.at[pl.ds(tb + i * CH, CH)], dv, si)

    def idx_wait(i, b):
        sv, dv, _, si, _ = slots[b]
        pltpu.make_async_copy(srcoff_hbm.at[pl.ds(cb + tb + i * CH, CH)], sv, si).wait()
        pltpu.make_async_copy(dst_hbm.at[pl.ds(tb + i * CH, CH)], dv, si).wait()

    def gather_start(b):
        sv, _, rv, _, sg = slots[b]
        pltpu.async_copy(h_hbm.at[sv], rv, sg)

    def gather_wait(b):
        sv, _, rv, _, sg = slots[b]
        pltpu.make_async_copy(h_hbm.at[sv], rv, sg).wait()

    def scatter(b):
        _, dv, rv, _, _ = slots[b]
        pltpu.sync_copy(rv, acc_sh.at[dv], add=True)

    idx_start(0, 0)
    idx_start(1, 1)
    idx_wait(0, 0)
    gather_start(0)

    @pl.loop(0, NCHUNK // 2 - 1)
    def _(k):
        i = 2 * k
        idx_wait(i + 1, 1)
        gather_start(1)
        gather_wait(0)
        scatter(0)
        idx_start(i + 2, 0)
        idx_wait(i + 2, 0)
        gather_start(0)
        gather_wait(1)
        scatter(1)
        idx_start(i + 3, 1)

    idx_wait(NCHUNK - 1, 1)
    gather_start(1)
    gather_wait(0)
    scatter(0)
    gather_wait(1)
    scatter(1)

    plsc.subcore_barrier()
    pltpu.sync_copy(acc_sh.at[pl.ds(s * RPT, RPT)],
                    acc_hbm.at[pl.ds(c * NP + s * RPT, RPT)])


def _make_agg():
    scratch = [
        pltpu.VMEM((CH,), jnp.int32),
        pltpu.VMEM((CH,), jnp.int32),
        pltpu.VMEM((CH, 128), jnp.float32),
        pltpu.VMEM((CH,), jnp.int32),
        pltpu.VMEM((CH,), jnp.int32),
        pltpu.VMEM((CH, 128), jnp.float32),
        pltpu.VMEM_SHARED((NP, 128), jnp.float32),
        pltpu.SemaphoreType.DMA,
        pltpu.SemaphoreType.DMA,
        pltpu.SemaphoreType.DMA,
        pltpu.SemaphoreType.DMA,
    ]
    return pl.kernel(
        _agg_body,
        out_type=jax.ShapeDtypeStruct((2 * NP, 128), jnp.float32),
        mesh=_MESH(),
        scratch_types=scratch,
    )


def _deg_body(dst_hbm, deg_hbm, dst0, dst1, ones_v, deg_sh, si0, si1, ss0, ss1):
    c = lax.axis_index("c")
    s = lax.axis_index("s")

    _fill_const(ones_v, CH, 128, 0.0)
    _zero_my_slice(ones_v, deg_sh, s)
    _fill_const(ones_v, CH, 128, 1.0)
    plsc.subcore_barrier()

    tb = s * EPT
    slots = ((dst0, si0, ss0), (dst1, si1, ss1))

    def idx_start(i, b):
        dv, si, _ = slots[b]
        pltpu.async_copy(dst_hbm.at[pl.ds(tb + i * CH, CH)], dv, si)

    def idx_wait(i, b):
        dv, si, _ = slots[b]
        pltpu.make_async_copy(dst_hbm.at[pl.ds(tb + i * CH, CH)], dv, si).wait()

    def scatter_start(b):
        dv, _, ss = slots[b]
        pltpu.async_copy(ones_v, deg_sh.at[dv], ss, add=True)

    def scatter_wait(b):
        dv, _, ss = slots[b]
        pltpu.make_async_copy(ones_v, deg_sh.at[dv], ss).wait()

    idx_start(0, 0)
    idx_start(1, 1)

    @pl.loop(0, NCHUNK // 2 - 1)
    def _(k):
        i = 2 * k
        idx_wait(i, 0)
        scatter_start(0)
        idx_wait(i + 1, 1)
        scatter_start(1)
        scatter_wait(0)
        idx_start(i + 2, 0)
        scatter_wait(1)
        idx_start(i + 3, 1)

    idx_wait(NCHUNK - 2, 0)
    scatter_start(0)
    idx_wait(NCHUNK - 1, 1)
    scatter_start(1)
    scatter_wait(0)
    scatter_wait(1)

    plsc.subcore_barrier()
    half = NP // 2
    rph = half // NSUB
    off = c * half + s * rph
    pltpu.sync_copy(deg_sh.at[pl.ds(off, rph)], deg_hbm.at[pl.ds(off, rph)])


def _make_deg():
    scratch = [
        pltpu.VMEM((CH,), jnp.int32),
        pltpu.VMEM((CH,), jnp.int32),
        pltpu.VMEM((CH, 128), jnp.float32),
        pltpu.VMEM_SHARED((NP, 128), jnp.float32),
        pltpu.SemaphoreType.DMA,
        pltpu.SemaphoreType.DMA,
        pltpu.SemaphoreType.DMA,
        pltpu.SemaphoreType.DMA,
    ]
    return pl.kernel(
        _deg_body,
        out_type=jax.ShapeDtypeStruct((NP, 128), jnp.float32),
        mesh=_MESH(),
        scratch_types=scratch,
    )


def _mlp_body(x_ref, w_ref, b_ref, o_ref):
    h = jnp.dot(x_ref[0], w_ref[...], preferred_element_type=jnp.float32)
    o_ref[0] = jnp.maximum(h + b_ref[...], 0.0)


def _layer_body(relu, a_ref, d_ref, w_ref, b_ref, o_ref):
    d = jnp.maximum(d_ref[:, :1], 1.0)
    a = a_ref[0] / d
    h = jnp.dot(a, w_ref[...], preferred_element_type=jnp.float32) + b_ref[...]
    o_ref[0] = jnp.maximum(h, 0.0) if relu else h


BR = 400


def _mlp_call(x2, w, b2d):
    return pl.pallas_call(
        _mlp_body,
        grid=(2, N // BR),
        in_specs=[
            pl.BlockSpec((1, BR, x2.shape[-1]), lambda b, i: (b, i, 0)),
            pl.BlockSpec((x2.shape[-1], 128), lambda b, i: (0, 0)),
            pl.BlockSpec((1, 128), lambda b, i: (0, 0)),
        ],
        out_specs=pl.BlockSpec((1, BR, 128), lambda b, i: (b, i, 0)),
        out_shape=jax.ShapeDtypeStruct((2, N, 128), jnp.float32),
    )(x2, w, b2d)


def _layer_call(acc, degtab, w, b2d, relu):
    return pl.pallas_call(
        functools.partial(_layer_body, relu),
        grid=(2, N // BR),
        in_specs=[
            pl.BlockSpec((1, BR, 128), lambda b, i: (b, i, 0)),
            pl.BlockSpec((BR, 128), lambda b, i: (i, 0)),
            pl.BlockSpec((128, 128), lambda b, i: (0, 0)),
            pl.BlockSpec((1, 128), lambda b, i: (0, 0)),
        ],
        out_specs=pl.BlockSpec((1, BR, 128), lambda b, i: (b, i, 0)),
        out_shape=jax.ShapeDtypeStruct((2, N, 128), jnp.float32),
    )(acc, degtab, w, b2d)


def kernel(x, adj, W_mlp, b_mlp, W1, b1, W2, b2):
    b, n, l, d = x.shape
    x2 = x.reshape(b, n, l * d)
    src = adj[0].astype(jnp.int32)
    dst = adj[1].astype(jnp.int32)
    pad = E_PAD - src.shape[0]
    src_p = jnp.concatenate([src, jnp.zeros((pad,), jnp.int32)])
    dst_p = jnp.concatenate([dst, jnp.full((pad,), n, jnp.int32)])
    srcoff = jnp.concatenate([src_p, src_p + n])

    degtab = _make_deg()(dst_p)
    h = _mlp_call(x2, W_mlp, b_mlp.reshape(1, -1))
    acc1 = _make_agg()(h.reshape(b * n, 128), srcoff, dst_p)
    h1 = _layer_call(acc1.reshape(2, NP, 128), degtab, W1, b1.reshape(1, -1),
                     relu=True)
    acc2 = _make_agg()(h1.reshape(b * n, 128), srcoff, dst_p)
    out = _layer_call(acc2.reshape(2, NP, 128), degtab, W2, b2.reshape(1, -1),
                      relu=False)
    return out

# --- scband reference (transcript-rebuilt; emitter-appended) ---
"""Pipeline reference for scband-spatial-feature-modeling-layer-56891136803119 (READ-ONLY COPY).

The authoritative reference and input builder live on the scoring server;
editing this copy changes nothing except your own understanding.
"""

import jax, jax.numpy as jnp
import numpy as np

B, N, L, D = 2, 10000, 12, 128
E = 320000
D_MODEL = 128


def setup_inputs(seed: int = 0) -> dict:
    key = jax.random.key(seed)
    ks = jax.random.split(key, 8)
    x = jax.random.normal(ks[0], (B, N, L, D), dtype=jnp.float32)
    adj = jax.random.randint(ks[1], (2, E), 0, N, dtype=jnp.int64)
    # MLP: Linear(d_model * in_len -> d_model) + ReLU
    fan_in_mlp = L * D
    W_mlp = jax.random.normal(ks[2], (fan_in_mlp, D_MODEL), dtype=jnp.float32) / np.sqrt(fan_in_mlp)
    b_mlp = jnp.zeros((D_MODEL,), dtype=jnp.float32)
    # GNN: two graph-conv layers (in->hidden->out, all d_model)
    W1 = jax.random.normal(ks[3], (D_MODEL, D_MODEL), dtype=jnp.float32) / np.sqrt(D_MODEL)
    b1 = jnp.zeros((D_MODEL,), dtype=jnp.float32)
    W2 = jax.random.normal(ks[4], (D_MODEL, D_MODEL), dtype=jnp.float32) / np.sqrt(D_MODEL)
    b2 = jnp.zeros((D_MODEL,), dtype=jnp.float32)
    return {"x": x, "adj": adj, "W_mlp": W_mlp, "b_mlp": b_mlp, "W1": W1, "b1": b1, "W2": W2, "b2": b2}


def reference(x, adj, W_mlp, b_mlp, W1, b1, W2, b2):
    b, n, l, d = x.shape
    # rearrange 'b n l d -> b n (l d)'
    h = x.reshape(b, n, l * d)
    # MLP(d_model * in_len -> d_model)
    h = jax.nn.relu(h @ W_mlp + b_mlp)
    src = adj[0]
    dst = adj[1]
    deg = jnp.zeros((n,), dtype=jnp.float32).at[dst].add(1.0)
    deg = jnp.clip(deg, 1.0, None)

    def agg(hb):  # [N, d] -> mean-aggregated neighbor features via gather + scatter-add
        msgs = hb[src]  # gather over edges
        summed = jax.ops.segment_sum(msgs, dst, num_segments=n)
        return summed / deg[:, None]

    def gnn(hb):
        h1 = jax.nn.relu(agg(hb) @ W1 + b1)
        h2 = agg(h1) @ W2 + b2
        return h2

    out = jax.vmap(gnn)(h)
    return out

if __name__ == "__main__":
    import jax
    _d = setup_inputs()
    print(jax.jit(kernel)(*tuple(_d.values())))

</pallas_src>

<mosaic_0001>
#map = affine_map<(d0, d1) -> (0)>
#map1 = affine_map<(d0, d1) -> (0, 0)>
module attributes {stable_mosaic.version = 14 : i64} {
  func.func @_deg_body(%arg0: i32, %arg1: i32, %arg2: memref<323584xi32, #tpu.memory_space<hbm>>, %arg3: memref<10240x128xf32, #tpu.memory_space<hbm>>, %arg4: memref<128xi32, #tpu.memory_space<vmem>>, %arg5: memref<128xi32, #tpu.memory_space<vmem>>, %arg6: memref<128x128xf32, #tpu.memory_space<vmem>>, %arg7: memref<10240x128xf32, #tpu.memory_space<vmem_shared>>, %arg8: memref<!tpu.dma_semaphore, #tpu.memory_space<semaphore_mem>>, %arg9: memref<!tpu.dma_semaphore, #tpu.memory_space<semaphore_mem>>, %arg10: memref<!tpu.dma_semaphore, #tpu.memory_space<semaphore_mem>>, %arg11: memref<!tpu.dma_semaphore, #tpu.memory_space<semaphore_mem>>) attributes {dimension_semantics = [#tpu.dimension_semantics<core_parallel>, #tpu.dimension_semantics<subcore_parallel>], iteration_bounds = array<i64: 2, 16>, scalar_prefetch = 0 : i64, scratch_operands = 8 : i64, tpu.core_type = #tpu.core_type<sc_vector_subcore>, window_params = [{transform_indices = #map}, {transform_indices = #map1}]} {
    %scan3A = arith.constant 0 : i32
    %scan3A_0 = arith.constant 128 : i32
    %scan3A_1 = arith.addi %scan3A, %scan3A_0 : i32
    %scan3A_2 = arith.constant 1 : i32
    scf.for %scan3A_51 = %scan3A to %scan3A_1 step %scan3A_2  : i32 {
      %mul3A_52 = arith.constant 1 : i32
      %mul3A_53 = arith.muli %scan3A_51, %mul3A_52 : i32
      %add3A_54 = arith.constant 0 : i32
      %add3A_55 = arith.addi %add3A_54, %mul3A_53 : i32
      %scan3A_56 = arith.constant 0 : i32
      %scan3A_57 = arith.constant 8 : i32
      %scan3A_58 = arith.addi %scan3A_56, %scan3A_57 : i32
      %scan3A_59 = arith.constant 1 : i32
      scf.for %scan3A_61 = %scan3A_56 to %scan3A_58 step %scan3A_59  : i32 {
        %mul3A_62 = arith.constant 1 : i32
        %mul3A_63 = arith.muli %scan3A_61, %mul3A_62 : i32
        %add3A_64 = arith.constant 0 : i32
        %add3A_65 = arith.addi %add3A_64, %mul3A_63 : i32
        %broadcast_in_dim3A = arith.constant 0.000000e+00 : f32
        %broadcast_in_dim3A_66 = vector.broadcast %broadcast_in_dim3A : f32 to vector<16xf32>
        %mul3A_67 = arith.constant 16 : i32
        %mul3A_68 = arith.muli %add3A_65, %mul3A_67 : i32
        %swap3A = arith.index_cast %add3A_55 : i32 to index
        %swap3A_69 = arith.index_cast %mul3A_68 : i32 to index
        %swap3A_70 = tpu.vector_load %arg6[%swap3A, %swap3A_69] {strides = array<i32>} : memref<128x128xf32, #tpu.memory_space<vmem>>, vector<1x16xf32>,
        %swap3A_71 = vector.shape_cast %swap3A_70 : vector<1x16xf32> to vector<16xf32>
        %swap3A_72 = vector.shape_cast %broadcast_in_dim3A_66 : vector<16xf32> to vector<1x16xf32>
        tpu.vector_store %arg6[%swap3A, %swap3A_69], %swap3A_72 {strides = array<i32>} : memref<128x128xf32, #tpu.memory_space<vmem>>, vector<1x16xf32>,
      }
      %scan3A_60 = arith.constant 8 : i32
    }
    %scan3A_3 = arith.constant 128 : i32
    %scan3A_4 = arith.constant 0 : i32
    %scan3A_5 = arith.constant 5 : i32
    %scan3A_6 = arith.addi %scan3A_4, %scan3A_5 : i32
    %scan3A_7 = arith.constant 1 : i32
    scf.for %scan3A_51 = %scan3A_4 to %scan3A_6 step %scan3A_7  : i32 {
      %mul3A_52 = arith.constant 1 : i32
      %mul3A_53 = arith.muli %scan3A_51, %mul3A_52 : i32
      %add3A_54 = arith.constant 0 : i32
      %add3A_55 = arith.addi %add3A_54, %mul3A_53 : i32
      %mul3A_56 = arith.constant 640 : i32
      %mul3A_57 = arith.muli %arg1, %mul3A_56 : i32
      %mul3A_58 = arith.constant 128 : i32
      %mul3A_59 = arith.muli %add3A_55, %mul3A_58 : i32
      %add3A_60 = arith.addi %mul3A_57, %mul3A_59 : i32
      "tpu.region"() ({
        %run_scoped3A = tpu.sem_alloc : memref<!tpu.dma_semaphore, #tpu.memory_space<semaphore_mem>>
        %dma_start3A_61 = arith.constant 0 : i32
        %dma_start3A_62 = tpu.memref_slice %arg7[%add3A_60, %dma_start3A_61] : memref<10240x128xf32, #tpu.memory_space<vmem_shared>> -> memref<128x128xf32, #tpu.memory_space<vmem_shared>>
        %dma_start3A_63 = arith.constant 0 : i32
        %dma_start3A_64 = tpu.memref_slice %arg7[%add3A_60, %dma_start3A_63] : memref<10240x128xf32, #tpu.memory_space<vmem_shared>> -> memref<128x128xf32, #tpu.memory_space<vmem_shared>>
        tpu.enqueue_dma source(%arg6 : memref<128x128xf32, #tpu.memory_space<vmem>>) target(%dma_start3A_64 : memref<128x128xf32, #tpu.memory_space<vmem_shared>>) target_semaphore(%run_scoped3A : memref<!tpu.dma_semaphore, #tpu.memory_space<semaphore_mem>>)
        %dma_wait3A_65 = arith.constant 0 : i32
        %dma_wait3A_66 = tpu.memref_slice %arg7[%add3A_60, %dma_wait3A_65] : memref<10240x128xf32, #tpu.memory_space<vmem_shared>> -> memref<128x128xf32, #tpu.memory_space<vmem_shared>>
        %dma_wait3A_67 = arith.constant 0 : i32
        %dma_wait3A_68 = tpu.memref_slice %arg7[%add3A_60, %dma_wait3A_67] : memref<10240x128xf32, #tpu.memory_space<vmem_shared>> -> memref<128x128xf32, #tpu.memory_space<vmem_shared>>
        tpu.wait_dma2 semaphore(%run_scoped3A : memref<!tpu.dma_semaphore, #tpu.memory_space<semaphore_mem>>) src(%arg6 : memref<128x128xf32, #tpu.memory_space<vmem>>) dst(%dma_wait3A_68 : memref<128x128xf32, #tpu.memory_space<vmem_shared>>)
        tpu.yield
      }) : () -> ()
    }
    %scan3A_8 = arith.constant 5 : i32
    %scan3A_9 = arith.constant 0 : i32
    %scan3A_10 = arith.constant 128 : i32
    %scan3A_11 = arith.addi %scan3A_9, %scan3A_10 : i32
    %scan3A_12 = arith.constant 1 : i32
    scf.for %scan3A_51 = %scan3A_9 to %scan3A_11 step %scan3A_12  : i32 {
      %mul3A_52 = arith.constant 1 : i32
      %mul3A_53 = arith.muli %scan3A_51, %mul3A_52 : i32
      %add3A_54 = arith.constant 0 : i32
      %add3A_55 = arith.addi %add3A_54, %mul3A_53 : i32
      %scan3A_56 = arith.constant 0 : i32
      %scan3A_57 = arith.constant 8 : i32
      %scan3A_58 = arith.addi %scan3A_56, %scan3A_57 : i32
      %scan3A_59 = arith.constant 1 : i32
      scf.for %scan3A_61 = %scan3A_56 to %scan3A_58 step %scan3A_59  : i32 {
        %mul3A_62 = arith.constant 1 : i32
        %mul3A_63 = arith.muli %scan3A_61, %mul3A_62 : i32
        %add3A_64 = arith.constant 0 : i32
        %add3A_65 = arith.addi %add3A_64, %mul3A_63 : i32
        %broadcast_in_dim3A = arith.constant 1.000000e+00 : f32
        %broadcast_in_dim3A_66 = vector.broadcast %broadcast_in_dim3A : f32 to vector<16xf32>
        %mul3A_67 = arith.constant 16 : i32
        %mul3A_68 = arith.muli %add3A_65, %mul3A_67 : i32
        %swap3A = arith.index_cast %add3A_55 : i32 to index
        %swap3A_69 = arith.index_cast %mul3A_68 : i32 to index
        %swap3A_70 = tpu.vector_load %arg6[%swap3A, %swap3A_69] {strides = array<i32>} : memref<128x128xf32, #tpu.memory_space<vmem>>, vector<1x16xf32>,
        %swap3A_71 = vector.shape_cast %swap3A_70 : vector<1x16xf32> to vector<16xf32>
        %swap3A_72 = vector.shape_cast %broadcast_in_dim3A_66 : vector<16xf32> to vector<1x16xf32>
        tpu.vector_store %arg6[%swap3A, %swap3A_69], %swap3A_72 {strides = array<i32>} : memref<128x128xf32, #tpu.memory_space<vmem>>, vector<1x16xf32>,
      }
      %scan3A_60 = arith.constant 8 : i32
    }
    %scan3A_13 = arith.constant 128 : i32
    %barrier3A = arith.constant 0 : index
    tpu.barrier barrier_id(%barrier3A)
    %mul3A = arith.constant 20224 : i32
    %mul3A_14 = arith.muli %arg1, %mul3A : i32
    %add3A = arith.constant 0 : i32
    %add3A_15 = arith.addi %mul3A_14, %add3A : i32
    %dma_start3A = tpu.memref_slice %arg2[%add3A_15] : memref<323584xi32, #tpu.memory_space<hbm>> -> memref<128xi32, #tpu.memory_space<hbm>>
    %dma_start3A_16 = tpu.memref_slice %arg2[%add3A_15] : memref<323584xi32, #tpu.memory_space<hbm>> -> memref<128xi32, #tpu.memory_space<hbm>>
    tpu.enqueue_dma source(%dma_start3A_16 : memref<128xi32, #tpu.memory_space<hbm>>) target(%arg4 : memref<128xi32, #tpu.memory_space<vmem>>) target_semaphore(%arg8 : memref<!tpu.dma_semaphore, #tpu.memory_space<semaphore_mem>>)
    %add3A_17 = arith.constant 128 : i32
    %add3A_18 = arith.addi %mul3A_14, %add3A_17 : i32
    %dma_start3A_19 = tpu.memref_slice %arg2[%add3A_18] : memref<323584xi32, #tpu.memory_space<hbm>> -> memref<128xi32, #tpu.memory_space<hbm>>
    %dma_start3A_20 = tpu.memref_slice %arg2[%add3A_18] : memref<323584xi32, #tpu.memory_space<hbm>> -> memref<128xi32, #tpu.memory_space<hbm>>
    tpu.enqueue_dma source(%dma_start3A_20 : memref<128xi32, #tpu.memory_space<hbm>>) target(%arg5 : memref<128xi32, #tpu.memory_space<vmem>>) target_semaphore(%arg9 : memref<!tpu.dma_semaphore, #tpu.memory_space<semaphore_mem>>)
    %scan3A_21 = arith.constant 0 : i32
    %scan3A_22 = arith.constant 78 : i32
    %scan3A_23 = arith.addi %scan3A_21, %scan3A_22 : i32
    %scan3A_24 = arith.constant 1 : i32
    scf.for %scan3A_51 = %scan3A_21 to %scan3A_23 step %scan3A_24  : i32 {
      %mul3A_52 = arith.constant 1 : i32
      %mul3A_53 = arith.muli %scan3A_51, %mul3A_52 : i32
      %add3A_54 = arith.constant 0 : i32
      %add3A_55 = arith.addi %add3A_54, %mul3A_53 : i32
      %mul3A_56 = arith.constant 2 : i32
      %mul3A_57 = arith.muli %mul3A_56, %add3A_55 : i32
      %mul3A_58 = arith.constant 128 : i32
      %mul3A_59 = arith.muli %mul3A_57, %mul3A_58 : i32
      %add3A_60 = arith.addi %mul3A_14, %mul3A_59 : i32
      %dma_wait3A_61 = tpu.memref_slice %arg2[%add3A_60] : memref<323584xi32, #tpu.memory_space<hbm>> -> memref<128xi32, #tpu.memory_space<hbm>>
      %dma_wait3A_62 = tpu.memref_slice %arg2[%add3A_60] : memref<323584xi32, #tpu.memory_space<hbm>> -> memref<128xi32, #tpu.memory_space<hbm>>
      tpu.wait_dma2 semaphore(%arg8 : memref<!tpu.dma_semaphore, #tpu.memory_space<semaphore_mem>>) src(%dma_wait3A_62 : memref<128xi32, #tpu.memory_space<hbm>>) dst(%arg4 : memref<128xi32, #tpu.memory_space<vmem>>)
      %dma_start3A_63 = arith.constant 0 : i32
      %dma_start3A_64 = arith.constant 0 : i32
      %dma_start3A_65 = tpu.memref_slice %arg7[%dma_start3A_63, %dma_start3A_64] : memref<10240x128xf32, #tpu.memory_space<vmem_shared>> -> memref<10240x128xf32, #tpu.memory_space<vmem_shared>>
      tpu.enqueue_indirect_dma source(%arg6 : memref<128x128xf32, #tpu.memory_space<vmem>>) target(%dma_start3A_65 : memref<10240x128xf32, #tpu.memory_space<vmem_shared>>) offsets(%arg4 : memref<128xi32, #tpu.memory_space<vmem>>) semaphore(%arg10 : memref<!tpu.dma_semaphore, #tpu.memory_space<semaphore_mem>>) {add = true}
      %add3A_66 = arith.constant 1 : i32
      %add3A_67 = arith.addi %mul3A_57, %add3A_66 : i32
      %mul3A_68 = arith.constant 128 : i32
      %mul3A_69 = arith.muli %add3A_67, %mul3A_68 : i32
      %add3A_70 = arith.addi %mul3A_14, %mul3A_69 : i32
      %dma_wait3A_71 = tpu.memref_slice %arg2[%add3A_70] : memref<323584xi32, #tpu.memory_space<hbm>> -> memref<128xi32, #tpu.memory_space<hbm>>
      %dma_wait3A_72 = tpu.memref_slice %arg2[%add3A_70] : memref<323584xi32, #tpu.memory_space<hbm>> -> memref<128xi32, #tpu.memory_space<hbm>>
      tpu.wait_dma2 semaphore(%arg9 : memref<!tpu.dma_semaphore, #tpu.memory_space<semaphore_mem>>) src(%dma_wait3A_72 : memref<128xi32, #tpu.memory_space<hbm>>) dst(%arg5 : memref<128xi32, #tpu.memory_space<vmem>>)
      %dma_start3A_73 = arith.constant 0 : i32
      %dma_start3A_74 = arith.constant 0 : i32
      %dma_start3A_75 = tpu.memref_slice %arg7[%dma_start3A_73, %dma_start3A_74] : memref<10240x128xf32, #tpu.memory_space<vmem_shared>> -> memref<10240x128xf32, #tpu.memory_space<vmem_shared>>
      tpu.enqueue_indirect_dma source(%arg6 : memref<128x128xf32, #tpu.memory_space<vmem>>) target(%dma_start3A_75 : memref<10240x128xf32, #tpu.memory_space<vmem_shared>>) offsets(%arg5 : memref<128xi32, #tpu.memory_space<vmem>>) semaphore(%arg11 : memref<!tpu.dma_semaphore, #tpu.memory_space<semaphore_mem>>) {add = true}
      %dma_wait3A_76 = arith.constant 0 : i32
      %dma_wait3A_77 = arith.constant 0 : i32
      %dma_wait3A_78 = tpu.memref_slice %arg7[%dma_wait3A_76, %dma_wait3A_77] : memref<10240x128xf32, #tpu.memory_space<vmem_shared>> -> memref<10240x128xf32, #tpu.memory_space<vmem_shared>>
      tpu.wait_indirect_dma semaphore(%arg10 : memref<!tpu.dma_semaphore, #tpu.memory_space<semaphore_mem>>) src(%arg6 : memref<128x128xf32, #tpu.memory_space<vmem>>) dst(%dma_wait3A_78 : memref<10240x128xf32, #tpu.memory_space<vmem_shared>>)
      %add3A_79 = arith.constant 2 : i32
      %add3A_80 = arith.addi %mul3A_57, %add3A_79 : i32
      %mul3A_81 = arith.constant 128 : i32
      %mul3A_82 = arith.muli %add3A_80, %mul3A_81 : i32
      %add3A_83 = arith.addi %mul3A_14, %mul3A_82 : i32
      %dma_start3A_84 = tpu.memref_slice %arg2[%add3A_83] : memref<323584xi32, #tpu.memory_space<hbm>> -> memref<128xi32, #tpu.memory_space<hbm>>
      %dma_start3A_85 = tpu.memref_slice %arg2[%add3A_83] : memref<323584xi32, #tpu.memory_space<hbm>> -> memref<128xi32, #tpu.memory_space<hbm>>
      tpu.enqueue_dma source(%dma_start3A_85 : memref<128xi32, #tpu.memory_space<hbm>>) target(%arg4 : memref<128xi32, #tpu.memory_space<vmem>>) target_semaphore(%arg8 : memref<!tpu.dma_semaphore, #tpu.memory_space<semaphore_mem>>)
      %dma_wait3A_86 = arith.constant 0 : i32
      %dma_wait3A_87 = arith.constant 0 : i32
      %dma_wait3A_88 = tpu.memref_slice %arg7[%dma_wait3A_86, %dma_wait3A_87] : memref<10240x128xf32, #tpu.memory_space<vmem_shared>> -> memref<10240x128xf32, #tpu.memory_space<vmem_shared>>
      tpu.wait_indirect_dma semaphore(%arg11 : memref<!tpu.dma_semaphore, #tpu.memory_space<semaphore_mem>>) src(%arg6 : memref<128x128xf32, #tpu.memory_space<vmem>>) dst(%dma_wait3A_88 : memref<10240x128xf32, #tpu.memory_space<vmem_shared>>)
      %add3A_89 = arith.constant 3 : i32
      %add3A_90 = arith.addi %mul3A_57, %add3A_89 : i32
      %mul3A_91 = arith.constant 128 : i32
      %mul3A_92 = arith.muli %add3A_90, %mul3A_91 : i32
      %add3A_93 = arith.addi %mul3A_14, %mul3A_92 : i32
      %dma_start3A_94 = tpu.memref_slice %arg2[%add3A_93] : memref<323584xi32, #tpu.memory_space<hbm>> -> memref<128xi32, #tpu.memory_space<hbm>>
      %dma_start3A_95 = tpu.memref_slice %arg2[%add3A_93] : memref<323584xi32, #tpu.memory_space<hbm>> -> memref<128xi32, #tpu.memory_space<hbm>>
      tpu.enqueue_dma source(%dma_start3A_95 : memref<128xi32, #tpu.memory_space<hbm>>) target(%arg5 : memref<128xi32, #tpu.memory_space<vmem>>) target_semaphore(%arg9 : memref<!tpu.dma_semaphore, #tpu.memory_space<semaphore_mem>>)
    }
    %scan3A_25 = arith.constant 78 : i32
    %add3A_26 = arith.constant 19968 : i32
    %add3A_27 = arith.addi %mul3A_14, %add3A_26 : i32
    %dma_wait3A = tpu.memref_slice %arg2[%add3A_27] : memref<323584xi32, #tpu.memory_space<hbm>> -> memref<128xi32, #tpu.memory_space<hbm>>
    %dma_wait3A_28 = tpu.memref_slice %arg2[%add3A_27] : memref<323584xi32, #tpu.memory_space<hbm>> -> memref<128xi32, #tpu.memory_space<hbm>>
    tpu.wait_dma2 semaphore(%arg8 : memref<!tpu.dma_semaphore, #tpu.memory_space<semaphore_mem>>) src(%dma_wait3A_28 : memref<128xi32, #tpu.memory_space<hbm>>) dst(%arg4 : memref<128xi32, #tpu.memory_space<vmem>>)
    %dma_start3A_29 = arith.constant 0 : i32
    %dma_start3A_30 = arith.constant 0 : i32
    %dma_start3A_31 = tpu.memref_slice %arg7[%dma_start3A_29, %dma_start3A_30] : memref<10240x128xf32, #tpu.memory_space<vmem_shared>> -> memref<10240x128xf32, #tpu.memory_space<vmem_shared>>
    tpu.enqueue_indirect_dma source(%arg6 : memref<128x128xf32, #tpu.memory_space<vmem>>) target(%dma_start3A_31 : memref<10240x128xf32, #tpu.memory_space<vmem_shared>>) offsets(%arg4 : memref<128xi32, #tpu.memory_space<vmem>>) semaphore(%arg10 : memref<!tpu.dma_semaphore, #tpu.memory_space<semaphore_mem>>) {add = true}
    %add3A_32 = arith.constant 20096 : i32
    %add3A_33 = arith.addi %mul3A_14, %add3A_32 : i32
    %dma_wait3A_34 = tpu.memref_slice %arg2[%add3A_33] : memref<323584xi32, #tpu.memory_space<hbm>> -> memref<128xi32, #tpu.memory_space<hbm>>
    %dma_wait3A_35 = tpu.memref_slice %arg2[%add3A_33] : memref<323584xi32, #tpu.memory_space<hbm>> -> memref<128xi32, #tpu.memory_space<hbm>>
    tpu.wait_dma2 semaphore(%arg9 : memref<!tpu.dma_semaphore, #tpu.memory_space<semaphore_mem>>) src(%dma_wait3A_35 : memref<128xi32, #tpu.memory_space<hbm>>) dst(%arg5 : memref<128xi32, #tpu.memory_space<vmem>>)
    %dma_start3A_36 = arith.constant 0 : i32
    %dma_start3A_37 = arith.constant 0 : i32
    %dma_start3A_38 = tpu.memref_slice %arg7[%dma_start3A_36, %dma_start3A_37] : memref<10240x128xf32, #tpu.memory_space<vmem_shared>> -> memref<10240x128xf32, #tpu.memory_space<vmem_shared>>
    tpu.enqueue_indirect_dma source(%arg6 : memref<128x128xf32, #tpu.memory_space<vmem>>) target(%dma_start3A_38 : memref<10240x128xf32, #tpu.memory_space<vmem_shared>>) offsets(%arg5 : memref<128xi32, #tpu.memory_space<vmem>>) semaphore(%arg11 : memref<!tpu.dma_semaphore, #tpu.memory_space<semaphore_mem>>) {add = true}
    %dma_wait3A_39 = arith.constant 0 : i32
    %dma_wait3A_40 = arith.constant 0 : i32
    %dma_wait3A_41 = tpu.memref_slice %arg7[%dma_wait3A_39, %dma_wait3A_40] : memref<10240x128xf32, #tpu.memory_space<vmem_shared>> -> memref<10240x128xf32, #tpu.memory_space<vmem_shared>>
    tpu.wait_indirect_dma semaphore(%arg10 : memref<!tpu.dma_semaphore, #tpu.memory_space<semaphore_mem>>) src(%arg6 : memref<128x128xf32, #tpu.memory_space<vmem>>) dst(%dma_wait3A_41 : memref<10240x128xf32, #tpu.memory_space<vmem_shared>>)
    %dma_wait3A_42 = arith.constant 0 : i32
    %dma_wait3A_43 = arith.constant 0 : i32
    %dma_wait3A_44 = tpu.memref_slice %arg7[%dma_wait3A_42, %dma_wait3A_43] : memref<10240x128xf32, #tpu.memory_space<vmem_shared>> -> memref<10240x128xf32, #tpu.memory_space<vmem_shared>>
    tpu.wait_indirect_dma semaphore(%arg11 : memref<!tpu.dma_semaphore, #tpu.memory_space<semaphore_mem>>) src(%arg6 : memref<128x128xf32, #tpu.memory_space<vmem>>) dst(%dma_wait3A_44 : memref<10240x128xf32, #tpu.memory_space<vmem_shared>>)
    %barrier3A_45 = arith.constant 0 : index
    tpu.barrier barrier_id(%barrier3A_45)
    %mul3A_46 = arith.constant 5120 : i32
    %mul3A_47 = arith.muli %arg0, %mul3A_46 : i32
    %mul3A_48 = arith.constant 320 : i32
    %mul3A_49 = arith.muli %arg1, %mul3A_48 : i32
    %add3A_50 = arith.addi %mul3A_47, %mul3A_49 : i32
    "tpu.region"() ({
      %run_scoped3A = tpu.sem_alloc : memref<!tpu.dma_semaphore, #tpu.memory_space<semaphore_mem>>
      %dma_start3A_51 = arith.constant 0 : i32
      %dma_start3A_52 = tpu.memref_slice %arg3[%add3A_50, %dma_start3A_51] : memref<10240x128xf32, #tpu.memory_space<hbm>> -> memref<320x128xf32, #tpu.memory_space<hbm>>
      %dma_start3A_53 = arith.constant 0 : i32
      %dma_start3A_54 = tpu.memref_slice %arg7[%add3A_50, %dma_start3A_53] : memref<10240x128xf32, #tpu.memory_space<vmem_shared>> -> memref<320x128xf32, #tpu.memory_space<vmem_shared>>
      tpu.enqueue_dma source(%dma_start3A_54 : memref<320x128xf32, #tpu.memory_space<vmem_shared>>) target(%dma_start3A_52 : memref<320x128xf32, #tpu.memory_space<hbm>>) target_semaphore(%run_scoped3A : memref<!tpu.dma_semaphore, #tpu.memory_space<semaphore_mem>>)
      %dma_wait3A_55 = arith.constant 0 : i32
      %dma_wait3A_56 = tpu.memref_slice %arg3[%add3A_50, %dma_wait3A_55] : memref<10240x128xf32, #tpu.memory_space<hbm>> -> memref<320x128xf32, #tpu.memory_space<hbm>>
      %dma_wait3A_57 = arith.constant 0 : i32
      %dma_wait3A_58 = tpu.memref_slice %arg7[%add3A_50, %dma_wait3A_57] : memref<10240x128xf32, #tpu.memory_space<vmem_shared>> -> memref<320x128xf32, #tpu.memory_space<vmem_shared>>
      tpu.wait_dma2 semaphore(%run_scoped3A : memref<!tpu.dma_semaphore, #tpu.memory_space<semaphore_mem>>) src(%dma_wait3A_58 : memref<320x128xf32, #tpu.memory_space<vmem_shared>>) dst(%dma_wait3A_56 : memref<320x128xf32, #tpu.memory_space<hbm>>)
      tpu.yield
    }) : () -> ()
    return
  }
}

#map = affine_map<(d0, d1) -> (0, 0)>
#map1 = affine_map<(d0, d1) -> (0)>
module attributes {stable_mosaic.version = 14 : i64} {
  func.func @_agg_body(%arg0: i32, %arg1: i32, %arg2: memref<20000x128xf32, #tpu.memory_space<hbm>>, %arg3: memref<647168xi32, #tpu.memory_space<hbm>>, %arg4: memref<323584xi32, #tpu.memory_space<hbm>>, %arg5: memref<20480x128xf32, #tpu.memory_space<hbm>>, %arg6: memref<128xi32, #tpu.memory_space<vmem>>, %arg7: memref<128xi32, #tpu.memory_space<vmem>>, %arg8: memref<128x128xf32, #tpu.memory_space<vmem>>, %arg9: memref<128xi32, #tpu.memory_space<vmem>>, %arg10: memref<128xi32, #tpu.memory_space<vmem>>, %arg11: memref<128x128xf32, #tpu.memory_space<vmem>>, %arg12: memref<10240x128xf32, #tpu.memory_space<vmem_shared>>, %arg13: memref<!tpu.dma_semaphore, #tpu.memory_space<semaphore_mem>>, %arg14: memref<!tpu.dma_semaphore, #tpu.memory_space<semaphore_mem>>, %arg15: memref<!tpu.dma_semaphore, #tpu.memory_space<semaphore_mem>>, %arg16: memref<!tpu.dma_semaphore, #tpu.memory_space<semaphore_mem>>) attributes {dimension_semantics = [#tpu.dimension_semantics<core_parallel>, #tpu.dimension_semantics<subcore_parallel>], iteration_bounds = array<i64: 2, 16>, scalar_prefetch = 0 : i64, scratch_operands = 11 : i64, tpu.core_type = #tpu.core_type<sc_vector_subcore>, window_params = [{transform_indices = #map}, {transform_indices = #map1}, {transform_indices = #map1}, {transform_indices = #map}]} {
    %scan3A = arith.constant 0 : i32
    %scan3A_0 = arith.constant 128 : i32
    %scan3A_1 = arith.addi %scan3A, %scan3A_0 : i32
    %scan3A_2 = arith.constant 1 : i32
    scf.for %scan3A_70 = %scan3A to %scan3A_1 step %scan3A_2  : i32 {
      %mul3A_71 = arith.constant 1 : i32
      %mul3A_72 = arith.muli %scan3A_70, %mul3A_71 : i32
      %add3A_73 = arith.constant 0 : i32
      %add3A_74 = arith.addi %add3A_73, %mul3A_72 : i32
      %scan3A_75 = arith.constant 0 : i32
      %scan3A_76 = arith.constant 8 : i32
      %scan3A_77 = arith.addi %scan3A_75, %scan3A_76 : i32
      %scan3A_78 = arith.constant 1 : i32
      scf.for %scan3A_80 = %scan3A_75 to %scan3A_77 step %scan3A_78  : i32 {
        %mul3A_81 = arith.constant 1 : i32
        %mul3A_82 = arith.muli %scan3A_80, %mul3A_81 : i32
        %add3A_83 = arith.constant 0 : i32
        %add3A_84 = arith.addi %add3A_83, %mul3A_82 : i32
        %broadcast_in_dim3A = arith.constant 0.000000e+00 : f32
        %broadcast_in_dim3A_85 = vector.broadcast %broadcast_in_dim3A : f32 to vector<16xf32>
        %mul3A_86 = arith.constant 16 : i32
        %mul3A_87 = arith.muli %add3A_84, %mul3A_86 : i32
        %swap3A = arith.index_cast %add3A_74 : i32 to index
        %swap3A_88 = arith.index_cast %mul3A_87 : i32 to index
        %swap3A_89 = tpu.vector_load %arg8[%swap3A, %swap3A_88] {strides = array<i32>} : memref<128x128xf32, #tpu.memory_space<vmem>>, vector<1x16xf32>,
        %swap3A_90 = vector.shape_cast %swap3A_89 : vector<1x16xf32> to vector<16xf32>
        %swap3A_91 = vector.shape_cast %broadcast_in_dim3A_85 : vector<16xf32> to vector<1x16xf32>
        tpu.vector_store %arg8[%swap3A, %swap3A_88], %swap3A_91 {strides = array<i32>} : memref<128x128xf32, #tpu.memory_space<vmem>>, vector<1x16xf32>,
      }
      %scan3A_79 = arith.constant 8 : i32
    }
    %scan3A_3 = arith.constant 128 : i32
    %scan3A_4 = arith.constant 0 : i32
    %scan3A_5 = arith.constant 5 : i32
    %scan3A_6 = arith.addi %scan3A_4, %scan3A_5 : i32
    %scan3A_7 = arith.constant 1 : i32
    scf.for %scan3A_70 = %scan3A_4 to %scan3A_6 step %scan3A_7  : i32 {
      %mul3A_71 = arith.constant 1 : i32
      %mul3A_72 = arith.muli %scan3A_70, %mul3A_71 : i32
      %add3A_73 = arith.constant 0 : i32
      %add3A_74 = arith.addi %add3A_73, %mul3A_72 : i32
      %mul3A_75 = arith.constant 640 : i32
      %mul3A_76 = arith.muli %arg1, %mul3A_75 : i32
      %mul3A_77 = arith.constant 128 : i32
      %mul3A_78 = arith.muli %add3A_74, %mul3A_77 : i32
      %add3A_79 = arith.addi %mul3A_76, %mul3A_78 : i32
      "tpu.region"() ({
        %run_scoped3A = tpu.sem_alloc : memref<!tpu.dma_semaphore, #tpu.memory_space<semaphore_mem>>
        %dma_start3A_80 = arith.constant 0 : i32
        %dma_start3A_81 = tpu.memref_slice %arg12[%add3A_79, %dma_start3A_80] : memref<10240x128xf32, #tpu.memory_space<vmem_shared>> -> memref<128x128xf32, #tpu.memory_space<vmem_shared>>
        %dma_start3A_82 = arith.constant 0 : i32
        %dma_start3A_83 = tpu.memref_slice %arg12[%add3A_79, %dma_start3A_82] : memref<10240x128xf32, #tpu.memory_space<vmem_shared>> -> memref<128x128xf32, #tpu.memory_space<vmem_shared>>
        tpu.enqueue_dma source(%arg8 : memref<128x128xf32, #tpu.memory_space<vmem>>) target(%dma_start3A_83 : memref<128x128xf32, #tpu.memory_space<vmem_shared>>) target_semaphore(%run_scoped3A : memref<!tpu.dma_semaphore, #tpu.memory_space<semaphore_mem>>)
        %dma_wait3A_84 = arith.constant 0 : i32
        %dma_wait3A_85 = tpu.memref_slice %arg12[%add3A_79, %dma_wait3A_84] : memref<10240x128xf32, #tpu.memory_space<vmem_shared>> -> memref<128x128xf32, #tpu.memory_space<vmem_shared>>
        %dma_wait3A_86 = arith.constant 0 : i32
        %dma_wait3A_87 = tpu.memref_slice %arg12[%add3A_79, %dma_wait3A_86] : memref<10240x128xf32, #tpu.memory_space<vmem_shared>> -> memref<128x128xf32, #tpu.memory_space<vmem_shared>>
        tpu.wait_dma2 semaphore(%run_scoped3A : memref<!tpu.dma_semaphore, #tpu.memory_space<semaphore_mem>>) src(%arg8 : memref<128x128xf32, #tpu.memory_space<vmem>>) dst(%dma_wait3A_87 : memref<128x128xf32, #tpu.memory_space<vmem_shared>>)
        tpu.yield
      }) : () -> ()
    }
    %scan3A_8 = arith.constant 5 : i32
    %barrier3A = arith.constant 0 : index
    tpu.barrier barrier_id(%barrier3A)
    %mul3A = arith.constant 20224 : i32
    %mul3A_9 = arith.muli %arg1, %mul3A : i32
    %mul3A_10 = arith.constant 323584 : i32
    %mul3A_11 = arith.muli %arg0, %mul3A_10 : i32
    %add3A = arith.addi %mul3A_11, %mul3A_9 : i32
    %add3A_12 = arith.constant 0 : i32
    %add3A_13 = arith.addi %add3A, %add3A_12 : i32
    %dma_start3A = tpu.memref_slice %arg3[%add3A_13] : memref<647168xi32, #tpu.memory_space<hbm>> -> memref<128xi32, #tpu.memory_space<hbm>>
    %dma_start3A_14 = tpu.memref_slice %arg3[%add3A_13] : memref<647168xi32, #tpu.memory_space<hbm>> -> memref<128xi32, #tpu.memory_space<hbm>>
    tpu.enqueue_dma source(%dma_start3A_14 : memref<128xi32, #tpu.memory_space<hbm>>) target(%arg6 : memref<128xi32, #tpu.memory_space<vmem>>) target_semaphore(%arg13 : memref<!tpu.dma_semaphore, #tpu.memory_space<semaphore_mem>>)
    %add3A_15 = arith.constant 0 : i32
    %add3A_16 = arith.addi %mul3A_9, %add3A_15 : i32
    %dma_start3A_17 = tpu.memref_slice %arg4[%add3A_16] : memref<323584xi32, #tpu.memory_space<hbm>> -> memref<128xi32, #tpu.memory_space<hbm>>
    %dma_start3A_18 = tpu.memref_slice %arg4[%add3A_16] : memref<323584xi32, #tpu.memory_space<hbm>> -> memref<128xi32, #tpu.memory_space<hbm>>
    tpu.enqueue_dma source(%dma_start3A_18 : memref<128xi32, #tpu.memory_space<hbm>>) target(%arg7 : memref<128xi32, #tpu.memory_space<vmem>>) target_semaphore(%arg13 : memref<!tpu.dma_semaphore, #tpu.memory_space<semaphore_mem>>)
    %add3A_19 = arith.addi %mul3A_11, %mul3A_9 : i32
    %add3A_20 = arith.constant 128 : i32
    %add3A_21 = arith.addi %add3A_19, %add3A_20 : i32
    %dma_start3A_22 = tpu.memref_slice %arg3[%add3A_21] : memref<647168xi32, #tpu.memory_space<hbm>> -> memref<128xi32, #tpu.memory_space<hbm>>
    %dma_start3A_23 = tpu.memref_slice %arg3[%add3A_21] : memref<647168xi32, #tpu.memory_space<hbm>> -> memref<128xi32, #tpu.memory_space<hbm>>
    tpu.enqueue_dma source(%dma_start3A_23 : memref<128xi32, #tpu.memory_space<hbm>>) target(%arg9 : memref<128xi32, #tpu.memory_space<vmem>>) target_semaphore(%arg14 : memref<!tpu.dma_semaphore, #tpu.memory_space<semaphore_mem>>)
    %add3A_24 = arith.constant 128 : i32
    %add3A_25 = arith.addi %mul3A_9, %add3A_24 : i32
    %dma_start3A_26 = tpu.memref_slice %arg4[%add3A_25] : memref<323584xi32, #tpu.memory_space<hbm>> -> memref<128xi32, #tpu.memory_space<hbm>>
    %dma_start3A_27 = tpu.memref_slice %arg4[%add3A_25] : memref<323584xi32, #tpu.memory_space<hbm>> -> memref<128xi32, #tpu.memory_space<hbm>>
    tpu.enqueue_dma source(%dma_start3A_27 : memref<128xi32, #tpu.memory_space<hbm>>) target(%arg10 : memref<128xi32, #tpu.memory_space<vmem>>) target_semaphore(%arg14 : memref<!tpu.dma_semaphore, #tpu.memory_space<semaphore_mem>>)
    %add3A_28 = arith.addi %mul3A_11, %mul3A_9 : i32
    %add3A_29 = arith.constant 0 : i32
    %add3A_30 = arith.addi %add3A_28, %add3A_29 : i32
    %dma_wait3A = tpu.memref_slice %arg3[%add3A_30] : memref<647168xi32, #tpu.memory_space<hbm>> -> memref<128xi32, #tpu.memory_space<hbm>>
    %dma_wait3A_31 = tpu.memref_slice %arg3[%add3A_30] : memref<647168xi32, #tpu.memory_space<hbm>> -> memref<128xi32, #tpu.memory_space<hbm>>
    tpu.wait_dma2 semaphore(%arg13 : memref<!tpu.dma_semaphore, #tpu.memory_space<semaphore_mem>>) src(%dma_wait3A_31 : memref<128xi32, #tpu.memory_space<hbm>>) dst(%arg6 : memref<128xi32, #tpu.memory_space<vmem>>)
    %add3A_32 = arith.constant 0 : i32
    %add3A_33 = arith.addi %mul3A_9, %add3A_32 : i32
    %dma_wait3A_34 = tpu.memref_slice %arg4[%add3A_33] : memref<323584xi32, #tpu.memory_space<hbm>> -> memref<128xi32, #tpu.memory_space<hbm>>
    %dma_wait3A_35 = tpu.memref_slice %arg4[%add3A_33] : memref<323584xi32, #tpu.memory_space<hbm>> -> memref<128xi32, #tpu.memory_space<hbm>>
    tpu.wait_dma2 semaphore(%arg13 : memref<!tpu.dma_semaphore, #tpu.memory_space<semaphore_mem>>) src(%dma_wait3A_35 : memref<128xi32, #tpu.memory_space<hbm>>) dst(%arg7 : memref<128xi32, #tpu.memory_space<vmem>>)
    %dma_start3A_36 = arith.constant 0 : i32
    %dma_start3A_37 = arith.constant 0 : i32
    %dma_start3A_38 = tpu.memref_slice %arg2[%dma_start3A_36, %dma_start3A_37] : memref<20000x128xf32, #tpu.memory_space<hbm>> -> memref<20000x128xf32, #tpu.memory_space<hbm>>
    tpu.enqueue_indirect_dma source(%dma_start3A_38 : memref<20000x128xf32, #tpu.memory_space<hbm>>) target(%arg8 : memref<128x128xf32, #tpu.memory_space<vmem>>) offsets(%arg6 : memref<128xi32, #tpu.memory_space<vmem>>) semaphore(%arg15 : memref<!tpu.dma_semaphore, #tpu.memory_space<semaphore_mem>>)
    %scan3A_39 = arith.constant 0 : i32
    %scan3A_40 = arith.constant 78 : i32
    %scan3A_41 = arith.addi %scan3A_39, %scan3A_40 : i32
    %scan3A_42 = arith.constant 1 : i32
    scf.for %scan3A_70 = %scan3A_39 to %scan3A_41 step %scan3A_42  : i32 {
      %mul3A_71 = arith.constant 1 : i32
      %mul3A_72 = arith.muli %scan3A_70, %mul3A_71 : i32
      %add3A_73 = arith.constant 0 : i32
      %add3A_74 = arith.addi %add3A_73, %mul3A_72 : i32
      %mul3A_75 = arith.constant 2 : i32
      %mul3A_76 = arith.muli %mul3A_75, %add3A_74 : i32
      %add3A_77 = arith.constant 1 : i32
      %add3A_78 = arith.addi %mul3A_76, %add3A_77 : i32
      %add3A_79 = arith.addi %mul3A_11, %mul3A_9 : i32
      %mul3A_80 = arith.constant 128 : i32
      %mul3A_81 = arith.muli %add3A_78, %mul3A_80 : i32
      %add3A_82 = arith.addi %add3A_79, %mul3A_81 : i32
      %dma_wait3A_83 = tpu.memref_slice %arg3[%add3A_82] : memref<647168xi32, #tpu.memory_space<hbm>> -> memref<128xi32, #tpu.memory_space<hbm>>
      %dma_wait3A_84 = tpu.memref_slice %arg3[%add3A_82] : memref<647168xi32, #tpu.memory_space<hbm>> -> memref<128xi32, #tpu.memory_space<hbm>>
      tpu.wait_dma2 semaphore(%arg14 : memref<!tpu.dma_semaphore, #tpu.memory_space<semaphore_mem>>) src(%dma_wait3A_84 : memref<128xi32, #tpu.memory_space<hbm>>) dst(%arg9 : memref<128xi32, #tpu.memory_space<vmem>>)
      %mul3A_85 = arith.constant 128 : i32
      %mul3A_86 = arith.muli %add3A_78, %mul3A_85 : i32
      %add3A_87 = arith.addi %mul3A_9, %mul3A_86 : i32
      %dma_wait3A_88 = tpu.memref_slice %arg4[%add3A_87] : memref<323584xi32, #tpu.memory_space<hbm>> -> memref<128xi32, #tpu.memory_space<hbm>>
      %dma_wait3A_89 = tpu.memref_slice %arg4[%add3A_87] : memref<323584xi32, #tpu.memory_space<hbm>> -> memref<128xi32, #tpu.memory_space<hbm>>
      tpu.wait_dma2 semaphore(%arg14 : memref<!tpu.dma_semaphore, #tpu.memory_space<semaphore_mem>>) src(%dma_wait3A_89 : memref<128xi32, #tpu.memory_space<hbm>>) dst(%arg10 : memref<128xi32, #tpu.memory_space<vmem>>)
      %dma_start3A_90 = arith.constant 0 : i32
      %dma_start3A_91 = arith.constant 0 : i32
      %dma_start3A_92 = tpu.memref_slice %arg2[%dma_start3A_90, %dma_start3A_91] : memref<20000x128xf32, #tpu.memory_space<hbm>> -> memref<20000x128xf32, #tpu.memory_space<hbm>>
      tpu.enqueue_indirect_dma source(%dma_start3A_92 : memref<20000x128xf32, #tpu.memory_space<hbm>>) target(%arg11 : memref<128x128xf32, #tpu.memory_space<vmem>>) offsets(%arg9 : memref<128xi32, #tpu.memory_space<vmem>>) semaphore(%arg16 : memref<!tpu.dma_semaphore, #tpu.memory_space<semaphore_mem>>)
      %dma_wait3A_93 = arith.constant 0 : i32
      %dma_wait3A_94 = arith.constant 0 : i32
      %dma_wait3A_95 = tpu.memref_slice %arg2[%dma_wait3A_93, %dma_wait3A_94] : memref<20000x128xf32, #tpu.memory_space<hbm>> -> memref<20000x128xf32, #tpu.memory_space<hbm>>
      tpu.wait_indirect_dma semaphore(%arg15 : memref<!tpu.dma_semaphore, #tpu.memory_space<semaphore_mem>>) src(%dma_wait3A_95 : memref<20000x128xf32, #tpu.memory_space<hbm>>) dst(%arg8 : memref<128x128xf32, #tpu.memory_space<vmem>>)
      "tpu.region"() ({
        %run_scoped3A = tpu.sem_alloc : memref<!tpu.dma_semaphore, #tpu.memory_space<semaphore_mem>>
        %dma_start3A_141 = arith.constant 0 : i32
        %dma_start3A_142 = arith.constant 0 : i32
        %dma_start3A_143 = tpu.memref_slice %arg12[%dma_start3A_141, %dma_start3A_142] : memref<10240x128xf32, #tpu.memory_space<vmem_shared>> -> memref<10240x128xf32, #tpu.memory_space<vmem_shared>>
        tpu.enqueue_indirect_dma source(%arg8 : memref<128x128xf32, #tpu.memory_space<vmem>>) target(%dma_start3A_143 : memref<10240x128xf32, #tpu.memory_space<vmem_shared>>) offsets(%arg7 : memref<128xi32, #tpu.memory_space<vmem>>) semaphore(%run_scoped3A : memref<!tpu.dma_semaphore, #tpu.memory_space<semaphore_mem>>) {add = true}
        %dma_wait3A_144 = arith.constant 0 : i32
        %dma_wait3A_145 = arith.constant 0 : i32
        %dma_wait3A_146 = tpu.memref_slice %arg12[%dma_wait3A_144, %dma_wait3A_145] : memref<10240x128xf32, #tpu.memory_space<vmem_shared>> -> memref<10240x128xf32, #tpu.memory_space<vmem_shared>>
        tpu.wait_indirect_dma semaphore(%run_scoped3A : memref<!tpu.dma_semaphore, #tpu.memory_space<semaphore_mem>>) src(%arg8 : memref<128x128xf32, #tpu.memory_space<vmem>>) dst(%dma_wait3A_146 : memref<10240x128xf32, #tpu.memory_space<vmem_shared>>)
        tpu.yield
      }) : () -> ()
      %add3A_96 = arith.constant 2 : i32
      %add3A_97 = arith.addi %mul3A_76, %add3A_96 : i32
      %add3A_98 = arith.addi %mul3A_11, %mul3A_9 : i32
      %mul3A_99 = arith.constant 128 : i32
      %mul3A_100 = arith.muli %add3A_97, %mul3A_99 : i32
      %add3A_101 = arith.addi %add3A_98, %mul3A_100 : i32
      %dma_start3A_102 = tpu.memref_slice %arg3[%add3A_101] : memref<647168xi32, #tpu.memory_space<hbm>> -> memref<128xi32, #tpu.memory_space<hbm>>
      %dma_start3A_103 = tpu.memref_slice %arg3[%add3A_101] : memref<647168xi32, #tpu.memory_space<hbm>> -> memref<128xi32, #tpu.memory_space<hbm>>
      tpu.enqueue_dma source(%dma_start3A_103 : memref<128xi32, #tpu.memory_space<hbm>>) target(%arg6 : memref<128xi32, #tpu.memory_space<vmem>>) target_semaphore(%arg13 : memref<!tpu.dma_semaphore, #tpu.memory_space<semaphore_mem>>)
      %mul3A_104 = arith.constant 128 : i32
      %mul3A_105 = arith.muli %add3A_97, %mul3A_104 : i32
      %add3A_106 = arith.addi %mul3A_9, %mul3A_105 : i32
      %dma_start3A_107 = tpu.memref_slice %arg4[%add3A_106] : memref<323584xi32, #tpu.memory_space<hbm>> -> memref<128xi32, #tpu.memory_space<hbm>>
      %dma_start3A_108 = tpu.memref_slice %arg4[%add3A_106] : memref<323584xi32, #tpu.memory_space<hbm>> -> memref<128xi32, #tpu.memory_space<hbm>>
      tpu.enqueue_dma source(%dma_start3A_108 : memref<128xi32, #tpu.memory_space<hbm>>) target(%arg7 : memref<128xi32, #tpu.memory_space<vmem>>) target_semaphore(%arg13 : memref<!tpu.dma_semaphore, #tpu.memory_space<semaphore_mem>>)
      %add3A_109 = arith.constant 2 : i32
      %add3A_110 = arith.addi %mul3A_76, %add3A_109 : i32
      %add3A_111 = arith.addi %mul3A_11, %mul3A_9 : i32
      %mul3A_112 = arith.constant 128 : i32
      %mul3A_113 = arith.muli %add3A_110, %mul3A_112 : i32
      %add3A_114 = arith.addi %add3A_111, %mul3A_113 : i32
      %dma_wait3A_115 = tpu.memref_slice %arg3[%add3A_114] : memref<647168xi32, #tpu.memory_space<hbm>> -> memref<128xi32, #tpu.memory_space<hbm>>
      %dma_wait3A_116 = tpu.memref_slice %arg3[%add3A_114] : memref<647168xi32, #tpu.memory_space<hbm>> -> memref<128xi32, #tpu.memory_space<hbm>>
      tpu.wait_dma2 semaphore(%arg13 : memref<!tpu.dma_semaphore, #tpu.memory_space<semaphore_mem>>) src(%dma_wait3A_116 : memref<128xi32, #tpu.memory_space<hbm>>) dst(%arg6 : memref<128xi32, #tpu.memory_space<vmem>>)
      %mul3A_117 = arith.constant 128 : i32
      %mul3A_118 = arith.muli %add3A_110, %mul3A_117 : i32
      %add3A_119 = arith.addi %mul3A_9, %mul3A_118 : i32
      %dma_wait3A_120 = tpu.memref_slice %arg4[%add3A_119] : memref<323584xi32, #tpu.memory_space<hbm>> -> memref<128xi32, #tpu.memory_space<hbm>>
      %dma_wait3A_121 = tpu.memref_slice %arg4[%add3A_119] : memref<323584xi32, #tpu.memory_space<hbm>> -> memref<128xi32, #tpu.memory_space<hbm>>
      tpu.wait_dma2 semaphore(%arg13 : memref<!tpu.dma_semaphore, #tpu.memory_space<semaphore_mem>>) src(%dma_wait3A_121 : memref<128xi32, #tpu.memory_space<hbm>>) dst(%arg7 : memref<128xi32, #tpu.memory_space<vmem>>)
      %dma_start3A_122 = arith.constant 0 : i32
      %dma_start3A_123 = arith.constant 0 : i32
      %dma_start3A_124 = tpu.memref_slice %arg2[%dma_start3A_122, %dma_start3A_123] : memref<20000x128xf32, #tpu.memory_space<hbm>> -> memref<20000x128xf32, #tpu.memory_space<hbm>>
      tpu.enqueue_indirect_dma source(%dma_start3A_124 : memref<20000x128xf32, #tpu.memory_space<hbm>>) target(%arg8 : memref<128x128xf32, #tpu.memory_space<vmem>>) offsets(%arg6 : memref<128xi32, #tpu.memory_space<vmem>>) semaphore(%arg15 : memref<!tpu.dma_semaphore, #tpu.memory_space<semaphore_mem>>)
      %dma_wait3A_125 = arith.constant 0 : i32
      %dma_wait3A_126 = arith.constant 0 : i32
      %dma_wait3A_127 = tpu.memref_slice %arg2[%dma_wait3A_125, %dma_wait3A_126] : memref<20000x128xf32, #tpu.memory_space<hbm>> -> memref<20000x128xf32, #tpu.memory_space<hbm>>
      tpu.wait_indirect_dma semaphore(%arg16 : memref<!tpu.dma_semaphore, #tpu.memory_space<semaphore_mem>>) src(%dma_wait3A_127 : memref<20000x128xf32, #tpu.memory_space<hbm>>) dst(%arg11 : memref<128x128xf32, #tpu.memory_space<vmem>>)
      "tpu.region"() ({
        %run_scoped3A = tpu.sem_alloc : memref<!tpu.dma_semaphore, #tpu.memory_space<semaphore_mem>>
        %dma_start3A_141 = arith.constant 0 : i32
        %dma_start3A_142 = arith.constant 0 : i32
        %dma_start3A_143 = tpu.memref_slice %arg12[%dma_start3A_141, %dma_start3A_142] : memref<10240x128xf32, #tpu.memory_space<vmem_shared>> -> memref<10240x128xf32, #tpu.memory_space<vmem_shared>>
        tpu.enqueue_indirect_dma source(%arg11 : memref<128x128xf32, #tpu.memory_space<vmem>>) target(%dma_start3A_143 : memref<10240x128xf32, #tpu.memory_space<vmem_shared>>) offsets(%arg10 : memref<128xi32, #tpu.memory_space<vmem>>) semaphore(%run_scoped3A : memref<!tpu.dma_semaphore, #tpu.memory_space<semaphore_mem>>) {add = true}
        %dma_wait3A_144 = arith.constant 0 : i32
        %dma_wait3A_145 = arith.constant 0 : i32
        %dma_wait3A_146 = tpu.memref_slice %arg12[%dma_wait3A_144, %dma_wait3A_145] : memref<10240x128xf32, #tpu.memory_space<vmem_shared>> -> memref<10240x128xf32, #tpu.memory_space<vmem_shared>>
        tpu.wait_indirect_dma semaphore(%run_scoped3A : memref<!tpu.dma_semaphore, #tpu.memory_space<semaphore_mem>>) src(%arg11 : memref<128x128xf32, #tpu.memory_space<vmem>>) dst(%dma_wait3A_146 : memref<10240x128xf32, #tpu.memory_space<vmem_shared>>)
        tpu.yield
      }) : () -> ()
      %add3A_128 = arith.constant 3 : i32
      %add3A_129 = arith.addi %mul3A_76, %add3A_128 : i32
      %add3A_130 = arith.addi %mul3A_11, %mul3A_9 : i32
      %mul3A_131 = arith.constant 128 : i32
      %mul3A_132 = arith.muli %add3A_129, %mul3A_131 : i32
      %add3A_133 = arith.addi %add3A_130, %mul3A_132 : i32
      %dma_start3A_134 = tpu.memref_slice %arg3[%add3A_133] : memref<647168xi32, #tpu.memory_space<hbm>> -> memref<128xi32, #tpu.memory_space<hbm>>
      %dma_start3A_135 = tpu.memref_slice %arg3[%add3A_133] : memref<647168xi32, #tpu.memory_space<hbm>> -> memref<128xi32, #tpu.memory_space<hbm>>
      tpu.enqueue_dma source(%dma_start3A_135 : memref<128xi32, #tpu.memory_space<hbm>>) target(%arg9 : memref<128xi32, #tpu.memory_space<vmem>>) target_semaphore(%arg14 : memref<!tpu.dma_semaphore, #tpu.memory_space<semaphore_mem>>)
      %mul3A_136 = arith.constant 128 : i32
      %mul3A_137 = arith.muli %add3A_129, %mul3A_136 : i32
      %add3A_138 = arith.addi %mul3A_9, %mul3A_137 : i32
      %dma_start3A_139 = tpu.memref_slice %arg4[%add3A_138] : memref<323584xi32, #tpu.memory_space<hbm>> -> memref<128xi32, #tpu.memory_space<hbm>>
      %dma_start3A_140 = tpu.memref_slice %arg4[%add3A_138] : memref<323584xi32, #tpu.memory_space<hbm>> -> memref<128xi32, #tpu.memory_space<hbm>>
      tpu.enqueue_dma source(%dma_start3A_140 : memref<128xi32, #tpu.memory_space<hbm>>) target(%arg10 : memref<128xi32, #tpu.memory_space<vmem>>) target_semaphore(%arg14 : memref<!tpu.dma_semaphore, #tpu.memory_space<semaphore_mem>>)
    }
    %scan3A_43 = arith.constant 78 : i32
    %add3A_44 = arith.addi %mul3A_11, %mul3A_9 : i32
    %add3A_45 = arith.constant 20096 : i32
    %add3A_46 = arith.addi %add3A_44, %add3A_45 : i32
    %dma_wait3A_47 = tpu.memref_slice %arg3[%add3A_46] : memref<647168xi32, #tpu.memory_space<hbm>> -> memref<128xi32, #tpu.memory_space<hbm>>
    %dma_wait3A_48 = tpu.memref_slice %arg3[%add3A_46] : memref<647168xi32, #tpu.memory_space<hbm>> -> memref<128xi32, #tpu.memory_space<hbm>>
    tpu.wait_dma2 semaphore(%arg14 : memref<!tpu.dma_semaphore, #tpu.memory_space<semaphore_mem>>) src(%dma_wait3A_48 : memref<128xi32, #tpu.memory_space<hbm>>) dst(%arg9 : memref<128xi32, #tpu.memory_space<vmem>>)
    %add3A_49 = arith.constant 20096 : i32
    %add3A_50 = arith.addi %mul3A_9, %add3A_49 : i32
    %dma_wait3A_51 = tpu.memref_slice %arg4[%add3A_50] : memref<323584xi32, #tpu.memory_space<hbm>> -> memref<128xi32, #tpu.memory_space<hbm>>
    %dma_wait3A_52 = tpu.memref_slice %arg4[%add3A_50] : memref<323584xi32, #tpu.memory_space<hbm>> -> memref<128xi32, #tpu.memory_space<hbm>>
    tpu.wait_dma2 semaphore(%arg14 : memref<!tpu.dma_semaphore, #tpu.memory_space<semaphore_mem>>) src(%dma_wait3A_52 : memref<128xi32, #tpu.memory_space<hbm>>) dst(%arg10 : memref<128xi32, #tpu.memory_space<vmem>>)
    %dma_start3A_53 = arith.constant 0 : i32
    %dma_start3A_54 = arith.constant 0 : i32
    %dma_start3A_55 = tpu.memref_slice %arg2[%dma_start3A_53, %dma_start3A_54] : memref<20000x128xf32, #tpu.memory_space<hbm>> -> memref<20000x128xf32, #tpu.memory_space<hbm>>
    tpu.enqueue_indirect_dma source(%dma_start3A_55 : memref<20000x128xf32, #tpu.memory_space<hbm>>) target(%arg11 : memref<128x128xf32, #tpu.memory_space<vmem>>) offsets(%arg9 : memref<128xi32, #tpu.memory_space<vmem>>) semaphore(%arg16 : memref<!tpu.dma_semaphore, #tpu.memory_space<semaphore_mem>>)
    %dma_wait3A_56 = arith.constant 0 : i32
    %dma_wait3A_57 = arith.constant 0 : i32
    %dma_wait3A_58 = tpu.memref_slice %arg2[%dma_wait3A_56, %dma_wait3A_57] : memref<20000x128xf32, #tpu.memory_space<hbm>> -> memref<20000x128xf32, #tpu.memory_space<hbm>>
    tpu.wait_indirect_dma semaphore(%arg15 : memref<!tpu.dma_semaphore, #tpu.memory_space<semaphore_mem>>) src(%dma_wait3A_58 : memref<20000x128xf32, #tpu.memory_space<hbm>>) dst(%arg8 : memref<128x128xf32, #tpu.memory_space<vmem>>)
    "tpu.region"() ({
      %run_scoped3A = tpu.sem_alloc : memref<!tpu.dma_semaphore, #tpu.memory_space<semaphore_mem>>
      %dma_start3A_70 = arith.constant 0 : i32
      %dma_start3A_71 = arith.constant 0 : i32
      %dma_start3A_72 = tpu.memref_slice %arg12[%dma_start3A_70, %dma_start3A_71] : memref<10240x128xf32, #tpu.memory_space<vmem_shared>> -> memref<10240x128xf32, #tpu.memory_space<vmem_shared>>
      tpu.enqueue_indirect_dma source(%arg8 : memref<128x128xf32, #tpu.memory_space<vmem>>) target(%dma_start3A_72 : memref<10240x128xf32, #tpu.memory_space<vmem_shared>>) offsets(%arg7 : memref<128xi32, #tpu.memory_space<vmem>>) semaphore(%run_scoped3A : memref<!tpu.dma_semaphore, #tpu.memory_space<semaphore_mem>>) {add = true}
      %dma_wait3A_73 = arith.constant 0 : i32
      %dma_wait3A_74 = arith.constant 0 : i32
      %dma_wait3A_75 = tpu.memref_slice %arg12[%dma_wait3A_73, %dma_wait3A_74] : memref<10240x128xf32, #tpu.memory_space<vmem_shared>> -> memref<10240x128xf32, #tpu.memory_space<vmem_shared>>
      tpu.wait_indirect_dma semaphore(%run_scoped3A : memref<!tpu.dma_semaphore, #tpu.memory_space<semaphore_mem>>) src(%arg8 : memref<128x128xf32, #tpu.memory_space<vmem>>) dst(%dma_wait3A_75 : memref<10240x128xf32, #tpu.memory_space<vmem_shared>>)
      tpu.yield
    }) : () -> ()
    %dma_wait3A_59 = arith.constant 0 : i32
    %dma_wait3A_60 = arith.constant 0 : i32
    %dma_wait3A_61 = tpu.memref_slice %arg2[%dma_wait3A_59, %dma_wait3A_60] : memref<20000x128xf32, #tpu.memory_space<hbm>> -> memref<20000x128xf32, #tpu.memory_space<hbm>>
    tpu.wait_indirect_dma semaphore(%arg16 : memref<!tpu.dma_semaphore, #tpu.memory_space<semaphore_mem>>) src(%dma_wait3A_61 : memref<20000x128xf32, #tpu.memory_space<hbm>>) dst(%arg11 : memref<128x128xf32, #tpu.memory_space<vmem>>)
    "tpu.region"() ({
      %run_scoped3A = tpu.sem_alloc : memref<!tpu.dma_semaphore, #tpu.memory_space<semaphore_mem>>
      %dma_start3A_70 = arith.constant 0 : i32
      %dma_start3A_71 = arith.constant 0 : i32
      %dma_start3A_72 = tpu.memref_slice %arg12[%dma_start3A_70, %dma_start3A_71] : memref<10240x128xf32, #tpu.memory_space<vmem_shared>> -> memref<10240x128xf32, #tpu.memory_space<vmem_shared>>
      tpu.enqueue_indirect_dma source(%arg11 : memref<128x128xf32, #tpu.memory_space<vmem>>) target(%dma_start3A_72 : memref<10240x128xf32, #tpu.memory_space<vmem_shared>>) offsets(%arg10 : memref<128xi32, #tpu.memory_space<vmem>>) semaphore(%run_scoped3A : memref<!tpu.dma_semaphore, #tpu.memory_space<semaphore_mem>>) {add = true}
      %dma_wait3A_73 = arith.constant 0 : i32
      %dma_wait3A_74 = arith.constant 0 : i32
      %dma_wait3A_75 = tpu.memref_slice %arg12[%dma_wait3A_73, %dma_wait3A_74] : memref<10240x128xf32, #tpu.memory_space<vmem_shared>> -> memref<10240x128xf32, #tpu.memory_space<vmem_shared>>
      tpu.wait_indirect_dma semaphore(%run_scoped3A : memref<!tpu.dma_semaphore, #tpu.memory_space<semaphore_mem>>) src(%arg11 : memref<128x128xf32, #tpu.memory_space<vmem>>) dst(%dma_wait3A_75 : memref<10240x128xf32, #tpu.memory_space<vmem_shared>>)
      tpu.yield
    }) : () -> ()
    %barrier3A_62 = arith.constant 0 : index
    tpu.barrier barrier_id(%barrier3A_62)
    %mul3A_63 = arith.constant 640 : i32
    %mul3A_64 = arith.muli %arg1, %mul3A_63 : i32
    %mul3A_65 = arith.constant 10240 : i32
    %mul3A_66 = arith.muli %arg0, %mul3A_65 : i32
    %mul3A_67 = arith.constant 640 : i32
    %mul3A_68 = arith.muli %arg1, %mul3A_67 : i32
    %add3A_69 = arith.addi %mul3A_66, %mul3A_68 : i32
    "tpu.region"() ({
      %run_scoped3A = tpu.sem_alloc : memref<!tpu.dma_semaphore, #tpu.memory_space<semaphore_mem>>
      %dma_start3A_70 = arith.constant 0 : i32
      %dma_start3A_71 = tpu.memref_slice %arg5[%add3A_69, %dma_start3A_70] : memref<20480x128xf32, #tpu.memory_space<hbm>> -> memref<640x128xf32, #tpu.memory_space<hbm>>
      %dma_start3A_72 = arith.constant 0 : i32
      %dma_start3A_73 = tpu.memref_slice %arg12[%mul3A_64, %dma_start3A_72] : memref<10240x128xf32, #tpu.memory_space<vmem_shared>> -> memref<640x128xf32, #tpu.memory_space<vmem_shared>>
      tpu.enqueue_dma source(%dma_start3A_73 : memref<640x128xf32, #tpu.memory_space<vmem_shared>>) target(%dma_start3A_71 : memref<640x128xf32, #tpu.memory_space<hbm>>) target_semaphore(%run_scoped3A : memref<!tpu.dma_semaphore, #tpu.memory_space<semaphore_mem>>)
      %dma_wait3A_74 = arith.constant 0 : i32
      %dma_wait3A_75 = tpu.memref_slice %arg5[%add3A_69, %dma_wait3A_74] : memref<20480x128xf32, #tpu.memory_space<hbm>> -> memref<640x128xf32, #tpu.memory_space<hbm>>
      %dma_wait3A_76 = arith.constant 0 : i32
      %dma_wait3A_77 = tpu.memref_slice %arg12[%mul3A_64, %dma_wait3A_76] : memref<10240x128xf32, #tpu.memory_space<vmem_shared>> -> memref<640x128xf32, #tpu.memory_space<vmem_shared>>
      tpu.wait_dma2 semaphore(%run_scoped3A : memref<!tpu.dma_semaphore, #tpu.memory_space<semaphore_mem>>) src(%dma_wait3A_77 : memref<640x128xf32, #tpu.memory_space<vmem_shared>>) dst(%dma_wait3A_75 : memref<640x128xf32, #tpu.memory_space<hbm>>)
      tpu.yield
    }) : () -> ()
    return
  }
}

#map = affine_map<(d0, d1) -> (0, 0)>
#map1 = affine_map<(d0, d1) -> (0)>
module attributes {stable_mosaic.version = 14 : i64} {
  func.func @_agg_body(%arg0: i32, %arg1: i32, %arg2: memref<20000x128xf32, #tpu.memory_space<hbm>>, %arg3: memref<647168xi32, #tpu.memory_space<hbm>>, %arg4: memref<323584xi32, #tpu.memory_space<hbm>>, %arg5: memref<20480x128xf32, #tpu.memory_space<hbm>>, %arg6: memref<128xi32, #tpu.memory_space<vmem>>, %arg7: memref<128xi32, #tpu.memory_space<vmem>>, %arg8: memref<128x128xf32, #tpu.memory_space<vmem>>, %arg9: memref<128xi32, #tpu.memory_space<vmem>>, %arg10: memref<128xi32, #tpu.memory_space<vmem>>, %arg11: memref<128x128xf32, #tpu.memory_space<vmem>>, %arg12: memref<10240x128xf32, #tpu.memory_space<vmem_shared>>, %arg13: memref<!tpu.dma_semaphore, #tpu.memory_space<semaphore_mem>>, %arg14: memref<!tpu.dma_semaphore, #tpu.memory_space<semaphore_mem>>, %arg15: memref<!tpu.dma_semaphore, #tpu.memory_space<semaphore_mem>>, %arg16: memref<!tpu.dma_semaphore, #tpu.memory_space<semaphore_mem>>) attributes {dimension_semantics = [#tpu.dimension_semantics<core_parallel>, #tpu.dimension_semantics<subcore_parallel>], iteration_bounds = array<i64: 2, 16>, scalar_prefetch = 0 : i64, scratch_operands = 11 : i64, tpu.core_type = #tpu.core_type<sc_vector_subcore>, window_params = [{transform_indices = #map}, {transform_indices = #map1}, {transform_indices = #map1}, {transform_indices = #map}]} {
    %scan3A = arith.constant 0 : i32
    %scan3A_0 = arith.constant 128 : i32
    %scan3A_1 = arith.addi %scan3A, %scan3A_0 : i32
    %scan3A_2 = arith.constant 1 : i32
    scf.for %scan3A_70 = %scan3A to %scan3A_1 step %scan3A_2  : i32 {
      %mul3A_71 = arith.constant 1 : i32
      %mul3A_72 = arith.muli %scan3A_70, %mul3A_71 : i32
      %add3A_73 = arith.constant 0 : i32
      %add3A_74 = arith.addi %add3A_73, %mul3A_72 : i32
      %scan3A_75 = arith.constant 0 : i32
      %scan3A_76 = arith.constant 8 : i32
      %scan3A_77 = arith.addi %scan3A_75, %scan3A_76 : i32
      %scan3A_78 = arith.constant 1 : i32
      scf.for %scan3A_80 = %scan3A_75 to %scan3A_77 step %scan3A_78  : i32 {
        %mul3A_81 = arith.constant 1 : i32
        %mul3A_82 = arith.muli %scan3A_80, %mul3A_81 : i32
        %add3A_83 = arith.constant 0 : i32
        %add3A_84 = arith.addi %add3A_83, %mul3A_82 : i32
        %broadcast_in_dim3A = arith.constant 0.000000e+00 : f32
        %broadcast_in_dim3A_85 = vector.broadcast %broadcast_in_dim3A : f32 to vector<16xf32>
        %mul3A_86 = arith.constant 16 : i32
        %mul3A_87 = arith.muli %add3A_84, %mul3A_86 : i32
        %swap3A = arith.index_cast %add3A_74 : i32 to index
        %swap3A_88 = arith.index_cast %mul3A_87 : i32 to index
        %swap3A_89 = tpu.vector_load %arg8[%swap3A, %swap3A_88] {strides = array<i32>} : memref<128x128xf32, #tpu.memory_space<vmem>>, vector<1x16xf32>,
        %swap3A_90 = vector.shape_cast %swap3A_89 : vector<1x16xf32> to vector<16xf32>
        %swap3A_91 = vector.shape_cast %broadcast_in_dim3A_85 : vector<16xf32> to vector<1x16xf32>
        tpu.vector_store %arg8[%swap3A, %swap3A_88], %swap3A_91 {strides = array<i32>} : memref<128x128xf32, #tpu.memory_space<vmem>>, vector<1x16xf32>,
      }
      %scan3A_79 = arith.constant 8 : i32
    }
    %scan3A_3 = arith.constant 128 : i32
    %scan3A_4 = arith.constant 0 : i32
    %scan3A_5 = arith.constant 5 : i32
    %scan3A_6 = arith.addi %scan3A_4, %scan3A_5 : i32
    %scan3A_7 = arith.constant 1 : i32
    scf.for %scan3A_70 = %scan3A_4 to %scan3A_6 step %scan3A_7  : i32 {
      %mul3A_71 = arith.constant 1 : i32
      %mul3A_72 = arith.muli %scan3A_70, %mul3A_71 : i32
      %add3A_73 = arith.constant 0 : i32
      %add3A_74 = arith.addi %add3A_73, %mul3A_72 : i32
      %mul3A_75 = arith.constant 640 : i32
      %mul3A_76 = arith.muli %arg1, %mul3A_75 : i32
      %mul3A_77 = arith.constant 128 : i32
      %mul3A_78 = arith.muli %add3A_74, %mul3A_77 : i32
      %add3A_79 = arith.addi %mul3A_76, %mul3A_78 : i32
      "tpu.region"() ({
        %run_scoped3A = tpu.sem_alloc : memref<!tpu.dma_semaphore, #tpu.memory_space<semaphore_mem>>
        %dma_start3A_80 = arith.constant 0 : i32
        %dma_start3A_81 = tpu.memref_slice %arg12[%add3A_79, %dma_start3A_80] : memref<10240x128xf32, #tpu.memory_space<vmem_shared>> -> memref<128x128xf32, #tpu.memory_space<vmem_shared>>
        %dma_start3A_82 = arith.constant 0 : i32
        %dma_start3A_83 = tpu.memref_slice %arg12[%add3A_79, %dma_start3A_82] : memref<10240x128xf32, #tpu.memory_space<vmem_shared>> -> memref<128x128xf32, #tpu.memory_space<vmem_shared>>
        tpu.enqueue_dma source(%arg8 : memref<128x128xf32, #tpu.memory_space<vmem>>) target(%dma_start3A_83 : memref<128x128xf32, #tpu.memory_space<vmem_shared>>) target_semaphore(%run_scoped3A : memref<!tpu.dma_semaphore, #tpu.memory_space<semaphore_mem>>)
        %dma_wait3A_84 = arith.constant 0 : i32
        %dma_wait3A_85 = tpu.memref_slice %arg12[%add3A_79, %dma_wait3A_84] : memref<10240x128xf32, #tpu.memory_space<vmem_shared>> -> memref<128x128xf32, #tpu.memory_space<vmem_shared>>
        %dma_wait3A_86 = arith.constant 0 : i32
        %dma_wait3A_87 = tpu.memref_slice %arg12[%add3A_79, %dma_wait3A_86] : memref<10240x128xf32, #tpu.memory_space<vmem_shared>> -> memref<128x128xf32, #tpu.memory_space<vmem_shared>>
        tpu.wait_dma2 semaphore(%run_scoped3A : memref<!tpu.dma_semaphore, #tpu.memory_space<semaphore_mem>>) src(%arg8 : memref<128x128xf32, #tpu.memory_space<vmem>>) dst(%dma_wait3A_87 : memref<128x128xf32, #tpu.memory_space<vmem_shared>>)
        tpu.yield
      }) : () -> ()
    }
    %scan3A_8 = arith.constant 5 : i32
    %barrier3A = arith.constant 0 : index
    tpu.barrier barrier_id(%barrier3A)
    %mul3A = arith.constant 20224 : i32
    %mul3A_9 = arith.muli %arg1, %mul3A : i32
    %mul3A_10 = arith.constant 323584 : i32
    %mul3A_11 = arith.muli %arg0, %mul3A_10 : i32
    %add3A = arith.addi %mul3A_11, %mul3A_9 : i32
    %add3A_12 = arith.constant 0 : i32
    %add3A_13 = arith.addi %add3A, %add3A_12 : i32
    %dma_start3A = tpu.memref_slice %arg3[%add3A_13] : memref<647168xi32, #tpu.memory_space<hbm>> -> memref<128xi32, #tpu.memory_space<hbm>>
    %dma_start3A_14 = tpu.memref_slice %arg3[%add3A_13] : memref<647168xi32, #tpu.memory_space<hbm>> -> memref<128xi32, #tpu.memory_space<hbm>>
    tpu.enqueue_dma source(%dma_start3A_14 : memref<128xi32, #tpu.memory_space<hbm>>) target(%arg6 : memref<128xi32, #tpu.memory_space<vmem>>) target_semaphore(%arg13 : memref<!tpu.dma_semaphore, #tpu.memory_space<semaphore_mem>>)
    %add3A_15 = arith.constant 0 : i32
    %add3A_16 = arith.addi %mul3A_9, %add3A_15 : i32
    %dma_start3A_17 = tpu.memref_slice %arg4[%add3A_16] : memref<323584xi32, #tpu.memory_space<hbm>> -> memref<128xi32, #tpu.memory_space<hbm>>
    %dma_start3A_18 = tpu.memref_slice %arg4[%add3A_16] : memref<323584xi32, #tpu.memory_space<hbm>> -> memref<128xi32, #tpu.memory_space<hbm>>
    tpu.enqueue_dma source(%dma_start3A_18 : memref<128xi32, #tpu.memory_space<hbm>>) target(%arg7 : memref<128xi32, #tpu.memory_space<vmem>>) target_semaphore(%arg13 : memref<!tpu.dma_semaphore, #tpu.memory_space<semaphore_mem>>)
    %add3A_19 = arith.addi %mul3A_11, %mul3A_9 : i32
    %add3A_20 = arith.constant 128 : i32
    %add3A_21 = arith.addi %add3A_19, %add3A_20 : i32
    %dma_start3A_22 = tpu.memref_slice %arg3[%add3A_21] : memref<647168xi32, #tpu.memory_space<hbm>> -> memref<128xi32, #tpu.memory_space<hbm>>
    %dma_start3A_23 = tpu.memref_slice %arg3[%add3A_21] : memref<647168xi32, #tpu.memory_space<hbm>> -> memref<128xi32, #tpu.memory_space<hbm>>
    tpu.enqueue_dma source(%dma_start3A_23 : memref<128xi32, #tpu.memory_space<hbm>>) target(%arg9 : memref<128xi32, #tpu.memory_space<vmem>>) target_semaphore(%arg14 : memref<!tpu.dma_semaphore, #tpu.memory_space<semaphore_mem>>)
    %add3A_24 = arith.constant 128 : i32
    %add3A_25 = arith.addi %mul3A_9, %add3A_24 : i32
    %dma_start3A_26 = tpu.memref_slice %arg4[%add3A_25] : memref<323584xi32, #tpu.memory_space<hbm>> -> memref<128xi32, #tpu.memory_space<hbm>>
    %dma_start3A_27 = tpu.memref_slice %arg4[%add3A_25] : memref<323584xi32, #tpu.memory_space<hbm>> -> memref<128xi32, #tpu.memory_space<hbm>>
    tpu.enqueue_dma source(%dma_start3A_27 : memref<128xi32, #tpu.memory_space<hbm>>) target(%arg10 : memref<128xi32, #tpu.memory_space<vmem>>) target_semaphore(%arg14 : memref<!tpu.dma_semaphore, #tpu.memory_space<semaphore_mem>>)
    %add3A_28 = arith.addi %mul3A_11, %mul3A_9 : i32
    %add3A_29 = arith.constant 0 : i32
    %add3A_30 = arith.addi %add3A_28, %add3A_29 : i32
    %dma_wait3A = tpu.memref_slice %arg3[%add3A_30] : memref<647168xi32, #tpu.memory_space<hbm>> -> memref<128xi32, #tpu.memory_space<hbm>>
    %dma_wait3A_31 = tpu.memref_slice %arg3[%add3A_30] : memref<647168xi32, #tpu.memory_space<hbm>> -> memref<128xi32, #tpu.memory_space<hbm>>
    tpu.wait_dma2 semaphore(%arg13 : memref<!tpu.dma_semaphore, #tpu.memory_space<semaphore_mem>>) src(%dma_wait3A_31 : memref<128xi32, #tpu.memory_space<hbm>>) dst(%arg6 : memref<128xi32, #tpu.memory_space<vmem>>)
    %add3A_32 = arith.constant 0 : i32
    %add3A_33 = arith.addi %mul3A_9, %add3A_32 : i32
    %dma_wait3A_34 = tpu.memref_slice %arg4[%add3A_33] : memref<323584xi32, #tpu.memory_space<hbm>> -> memref<128xi32, #tpu.memory_space<hbm>>
    %dma_wait3A_35 = tpu.memref_slice %arg4[%add3A_33] : memref<323584xi32, #tpu.memory_space<hbm>> -> memref<128xi32, #tpu.memory_space<hbm>>
    tpu.wait_dma2 semaphore(%arg13 : memref<!tpu.dma_semaphore, #tpu.memory_space<semaphore_mem>>) src(%dma_wait3A_35 : memref<128xi32, #tpu.memory_space<hbm>>) dst(%arg7 : memref<128xi32, #tpu.memory_space<vmem>>)
    %dma_start3A_36 = arith.constant 0 : i32
    %dma_start3A_37 = arith.constant 0 : i32
    %dma_start3A_38 = tpu.memref_slice %arg2[%dma_start3A_36, %dma_start3A_37] : memref<20000x128xf32, #tpu.memory_space<hbm>> -> memref<20000x128xf32, #tpu.memory_space<hbm>>
    tpu.enqueue_indirect_dma source(%dma_start3A_38 : memref<20000x128xf32, #tpu.memory_space<hbm>>) target(%arg8 : memref<128x128xf32, #tpu.memory_space<vmem>>) offsets(%arg6 : memref<128xi32, #tpu.memory_space<vmem>>) semaphore(%arg15 : memref<!tpu.dma_semaphore, #tpu.memory_space<semaphore_mem>>)
    %scan3A_39 = arith.constant 0 : i32
    %scan3A_40 = arith.constant 78 : i32
    %scan3A_41 = arith.addi %scan3A_39, %scan3A_40 : i32
    %scan3A_42 = arith.constant 1 : i32
    scf.for %scan3A_70 = %scan3A_39 to %scan3A_41 step %scan3A_42  : i32 {
      %mul3A_71 = arith.constant 1 : i32
      %mul3A_72 = arith.muli %scan3A_70, %mul3A_71 : i32
      %add3A_73 = arith.constant 0 : i32
      %add3A_74 = arith.addi %add3A_73, %mul3A_72 : i32
      %mul3A_75 = arith.constant 2 : i32
      %mul3A_76 = arith.muli %mul3A_75, %add3A_74 : i32
      %add3A_77 = arith.constant 1 : i32
      %add3A_78 = arith.addi %mul3A_76, %add3A_77 : i32
      %add3A_79 = arith.addi %mul3A_11, %mul3A_9 : i32
      %mul3A_80 = arith.constant 128 : i32
      %mul3A_81 = arith.muli %add3A_78, %mul3A_80 : i32
      %add3A_82 = arith.addi %add3A_79, %mul3A_81 : i32
      %dma_wait3A_83 = tpu.memref_slice %arg3[%add3A_82] : memref<647168xi32, #tpu.memory_space<hbm>> -> memref<128xi32, #tpu.memory_space<hbm>>
      %dma_wait3A_84 = tpu.memref_slice %arg3[%add3A_82] : memref<647168xi32, #tpu.memory_space<hbm>> -> memref<128xi32, #tpu.memory_space<hbm>>
      tpu.wait_dma2 semaphore(%arg14 : memref<!tpu.dma_semaphore, #tpu.memory_space<semaphore_mem>>) src(%dma_wait3A_84 : memref<128xi32, #tpu.memory_space<hbm>>) dst(%arg9 : memref<128xi32, #tpu.memory_space<vmem>>)
      %mul3A_85 = arith.constant 128 : i32
      %mul3A_86 = arith.muli %add3A_78, %mul3A_85 : i32
      %add3A_87 = arith.addi %mul3A_9, %mul3A_86 : i32
      %dma_wait3A_88 = tpu.memref_slice %arg4[%add3A_87] : memref<323584xi32, #tpu.memory_space<hbm>> -> memref<128xi32, #tpu.memory_space<hbm>>
      %dma_wait3A_89 = tpu.memref_slice %arg4[%add3A_87] : memref<323584xi32, #tpu.memory_space<hbm>> -> memref<128xi32, #tpu.memory_space<hbm>>
      tpu.wait_dma2 semaphore(%arg14 : memref<!tpu.dma_semaphore, #tpu.memory_space<semaphore_mem>>) src(%dma_wait3A_89 : memref<128xi32, #tpu.memory_space<hbm>>) dst(%arg10 : memref<128xi32, #tpu.memory_space<vmem>>)
      %dma_start3A_90 = arith.constant 0 : i32
      %dma_start3A_91 = arith.constant 0 : i32
      %dma_start3A_92 = tpu.memref_slice %arg2[%dma_start3A_90, %dma_start3A_91] : memref<20000x128xf32, #tpu.memory_space<hbm>> -> memref<20000x128xf32, #tpu.memory_space<hbm>>
      tpu.enqueue_indirect_dma source(%dma_start3A_92 : memref<20000x128xf32, #tpu.memory_space<hbm>>) target(%arg11 : memref<128x128xf32, #tpu.memory_space<vmem>>) offsets(%arg9 : memref<128xi32, #tpu.memory_space<vmem>>) semaphore(%arg16 : memref<!tpu.dma_semaphore, #tpu.memory_space<semaphore_mem>>)
      %dma_wait3A_93 = arith.constant 0 : i32
      %dma_wait3A_94 = arith.constant 0 : i32
      %dma_wait3A_95 = tpu.memref_slice %arg2[%dma_wait3A_93, %dma_wait3A_94] : memref<20000x128xf32, #tpu.memory_space<hbm>> -> memref<20000x128xf32, #tpu.memory_space<hbm>>
      tpu.wait_indirect_dma semaphore(%arg15 : memref<!tpu.dma_semaphore, #tpu.memory_space<semaphore_mem>>) src(%dma_wait3A_95 : memref<20000x128xf32, #tpu.memory_space<hbm>>) dst(%arg8 : memref<128x128xf32, #tpu.memory_space<vmem>>)
      "tpu.region"() ({
        %run_scoped3A = tpu.sem_alloc : memref<!tpu.dma_semaphore, #tpu.memory_space<semaphore_mem>>
        %dma_start3A_141 = arith.constant 0 : i32
        %dma_start3A_142 = arith.constant 0 : i32
        %dma_start3A_143 = tpu.memref_slice %arg12[%dma_start3A_141, %dma_start3A_142] : memref<10240x128xf32, #tpu.memory_space<vmem_shared>> -> memref<10240x128xf32, #tpu.memory_space<vmem_shared>>
        tpu.enqueue_indirect_dma source(%arg8 : memref<128x128xf32, #tpu.memory_space<vmem>>) target(%dma_start3A_143 : memref<10240x128xf32, #tpu.memory_space<vmem_shared>>) offsets(%arg7 : memref<128xi32, #tpu.memory_space<vmem>>) semaphore(%run_scoped3A : memref<!tpu.dma_semaphore, #tpu.memory_space<semaphore_mem>>) {add = true}
        %dma_wait3A_144 = arith.constant 0 : i32
        %dma_wait3A_145 = arith.constant 0 : i32
        %dma_wait3A_146 = tpu.memref_slice %arg12[%dma_wait3A_144, %dma_wait3A_145] : memref<10240x128xf32, #tpu.memory_space<vmem_shared>> -> memref<10240x128xf32, #tpu.memory_space<vmem_shared>>
        tpu.wait_indirect_dma semaphore(%run_scoped3A : memref<!tpu.dma_semaphore, #tpu.memory_space<semaphore_mem>>) src(%arg8 : memref<128x128xf32, #tpu.memory_space<vmem>>) dst(%dma_wait3A_146 : memref<10240x128xf32, #tpu.memory_space<vmem_shared>>)
        tpu.yield
      }) : () -> ()
      %add3A_96 = arith.constant 2 : i32
      %add3A_97 = arith.addi %mul3A_76, %add3A_96 : i32
      %add3A_98 = arith.addi %mul3A_11, %mul3A_9 : i32
      %mul3A_99 = arith.constant 128 : i32
      %mul3A_100 = arith.muli %add3A_97, %mul3A_99 : i32
      %add3A_101 = arith.addi %add3A_98, %mul3A_100 : i32
      %dma_start3A_102 = tpu.memref_slice %arg3[%add3A_101] : memref<647168xi32, #tpu.memory_space<hbm>> -> memref<128xi32, #tpu.memory_space<hbm>>
      %dma_start3A_103 = tpu.memref_slice %arg3[%add3A_101] : memref<647168xi32, #tpu.memory_space<hbm>> -> memref<128xi32, #tpu.memory_space<hbm>>
      tpu.enqueue_dma source(%dma_start3A_103 : memref<128xi32, #tpu.memory_space<hbm>>) target(%arg6 : memref<128xi32, #tpu.memory_space<vmem>>) target_semaphore(%arg13 : memref<!tpu.dma_semaphore, #tpu.memory_space<semaphore_mem>>)
      %mul3A_104 = arith.constant 128 : i32
      %mul3A_105 = arith.muli %add3A_97, %mul3A_104 : i32
      %add3A_106 = arith.addi %mul3A_9, %mul3A_105 : i32
      %dma_start3A_107 = tpu.memref_slice %arg4[%add3A_106] : memref<323584xi32, #tpu.memory_space<hbm>> -> memref<128xi32, #tpu.memory_space<hbm>>
      %dma_start3A_108 = tpu.memref_slice %arg4[%add3A_106] : memref<323584xi32, #tpu.memory_space<hbm>> -> memref<128xi32, #tpu.memory_space<hbm>>
      tpu.enqueue_dma source(%dma_start3A_108 : memref<128xi32, #tpu.memory_space<hbm>>) target(%arg7 : memref<128xi32, #tpu.memory_space<vmem>>) target_semaphore(%arg13 : memref<!tpu.dma_semaphore, #tpu.memory_space<semaphore_mem>>)
      %add3A_109 = arith.constant 2 : i32
      %add3A_110 = arith.addi %mul3A_76, %add3A_109 : i32
      %add3A_111 = arith.addi %mul3A_11, %mul3A_9 : i32
      %mul3A_112 = arith.constant 128 : i32
      %mul3A_113 = arith.muli %add3A_110, %mul3A_112 : i32
      %add3A_114 = arith.addi %add3A_111, %mul3A_113 : i32
      %dma_wait3A_115 = tpu.memref_slice %arg3[%add3A_114] : memref<647168xi32, #tpu.memory_space<hbm>> -> memref<128xi32, #tpu.memory_space<hbm>>
      %dma_wait3A_116 = tpu.memref_slice %arg3[%add3A_114] : memref<647168xi32, #tpu.memory_space<hbm>> -> memref<128xi32, #tpu.memory_space<hbm>>
      tpu.wait_dma2 semaphore(%arg13 : memref<!tpu.dma_semaphore, #tpu.memory_space<semaphore_mem>>) src(%dma_wait3A_116 : memref<128xi32, #tpu.memory_space<hbm>>) dst(%arg6 : memref<128xi32, #tpu.memory_space<vmem>>)
      %mul3A_117 = arith.constant 128 : i32
      %mul3A_118 = arith.muli %add3A_110, %mul3A_117 : i32
      %add3A_119 = arith.addi %mul3A_9, %mul3A_118 : i32
      %dma_wait3A_120 = tpu.memref_slice %arg4[%add3A_119] : memref<323584xi32, #tpu.memory_space<hbm>> -> memref<128xi32, #tpu.memory_space<hbm>>
      %dma_wait3A_121 = tpu.memref_slice %arg4[%add3A_119] : memref<323584xi32, #tpu.memory_space<hbm>> -> memref<128xi32, #tpu.memory_space<hbm>>
      tpu.wait_dma2 semaphore(%arg13 : memref<!tpu.dma_semaphore, #tpu.memory_space<semaphore_mem>>) src(%dma_wait3A_121 : memref<128xi32, #tpu.memory_space<hbm>>) dst(%arg7 : memref<128xi32, #tpu.memory_space<vmem>>)
      %dma_start3A_122 = arith.constant 0 : i32
      %dma_start3A_123 = arith.constant 0 : i32
      %dma_start3A_124 = tpu.memref_slice %arg2[%dma_start3A_122, %dma_start3A_123] : memref<20000x128xf32, #tpu.memory_space<hbm>> -> memref<20000x128xf32, #tpu.memory_space<hbm>>
      tpu.enqueue_indirect_dma source(%dma_start3A_124 : memref<20000x128xf32, #tpu.memory_space<hbm>>) target(%arg8 : memref<128x128xf32, #tpu.memory_space<vmem>>) offsets(%arg6 : memref<128xi32, #tpu.memory_space<vmem>>) semaphore(%arg15 : memref<!tpu.dma_semaphore, #tpu.memory_space<semaphore_mem>>)
      %dma_wait3A_125 = arith.constant 0 : i32
      %dma_wait3A_126 = arith.constant 0 : i32
      %dma_wait3A_127 = tpu.memref_slice %arg2[%dma_wait3A_125, %dma_wait3A_126] : memref<20000x128xf32, #tpu.memory_space<hbm>> -> memref<20000x128xf32, #tpu.memory_space<hbm>>
      tpu.wait_indirect_dma semaphore(%arg16 : memref<!tpu.dma_semaphore, #tpu.memory_space<semaphore_mem>>) src(%dma_wait3A_127 : memref<20000x128xf32, #tpu.memory_space<hbm>>) dst(%arg11 : memref<128x128xf32, #tpu.memory_space<vmem>>)
      "tpu.region"() ({
        %run_scoped3A = tpu.sem_alloc : memref<!tpu.dma_semaphore, #tpu.memory_space<semaphore_mem>>
        %dma_start3A_141 = arith.constant 0 : i32
        %dma_start3A_142 = arith.constant 0 : i32
        %dma_start3A_143 = tpu.memref_slice %arg12[%dma_start3A_141, %dma_start3A_142] : memref<10240x128xf32, #tpu.memory_space<vmem_shared>> -> memref<10240x128xf32, #tpu.memory_space<vmem_shared>>
        tpu.enqueue_indirect_dma source(%arg11 : memref<128x128xf32, #tpu.memory_space<vmem>>) target(%dma_start3A_143 : memref<10240x128xf32, #tpu.memory_space<vmem_shared>>) offsets(%arg10 : memref<128xi32, #tpu.memory_space<vmem>>) semaphore(%run_scoped3A : memref<!tpu.dma_semaphore, #tpu.memory_space<semaphore_mem>>) {add = true}
        %dma_wait3A_144 = arith.constant 0 : i32
        %dma_wait3A_145 = arith.constant 0 : i32
        %dma_wait3A_146 = tpu.memref_slice %arg12[%dma_wait3A_144, %dma_wait3A_145] : memref<10240x128xf32, #tpu.memory_space<vmem_shared>> -> memref<10240x128xf32, #tpu.memory_space<vmem_shared>>
        tpu.wait_indirect_dma semaphore(%run_scoped3A : memref<!tpu.dma_semaphore, #tpu.memory_space<semaphore_mem>>) src(%arg11 : memref<128x128xf32, #tpu.memory_space<vmem>>) dst(%dma_wait3A_146 : memref<10240x128xf32, #tpu.memory_space<vmem_shared>>)
        tpu.yield
      }) : () -> ()
      %add3A_128 = arith.constant 3 : i32
      %add3A_129 = arith.addi %mul3A_76, %add3A_128 : i32
      %add3A_130 = arith.addi %mul3A_11, %mul3A_9 : i32
      %mul3A_131 = arith.constant 128 : i32
      %mul3A_132 = arith.muli %add3A_129, %mul3A_131 : i32
      %add3A_133 = arith.addi %add3A_130, %mul3A_132 : i32
      %dma_start3A_134 = tpu.memref_slice %arg3[%add3A_133] : memref<647168xi32, #tpu.memory_space<hbm>> -> memref<128xi32, #tpu.memory_space<hbm>>
      %dma_start3A_135 = tpu.memref_slice %arg3[%add3A_133] : memref<647168xi32, #tpu.memory_space<hbm>> -> memref<128xi32, #tpu.memory_space<hbm>>
      tpu.enqueue_dma source(%dma_start3A_135 : memref<128xi32, #tpu.memory_space<hbm>>) target(%arg9 : memref<128xi32, #tpu.memory_space<vmem>>) target_semaphore(%arg14 : memref<!tpu.dma_semaphore, #tpu.memory_space<semaphore_mem>>)
      %mul3A_136 = arith.constant 128 : i32
      %mul3A_137 = arith.muli %add3A_129, %mul3A_136 : i32
      %add3A_138 = arith.addi %mul3A_9, %mul3A_137 : i32
      %dma_start3A_139 = tpu.memref_slice %arg4[%add3A_138] : memref<323584xi32, #tpu.memory_space<hbm>> -> memref<128xi32, #tpu.memory_space<hbm>>
      %dma_start3A_140 = tpu.memref_slice %arg4[%add3A_138] : memref<323584xi32, #tpu.memory_space<hbm>> -> memref<128xi32, #tpu.memory_space<hbm>>
      tpu.enqueue_dma source(%dma_start3A_140 : memref<128xi32, #tpu.memory_space<hbm>>) target(%arg10 : memref<128xi32, #tpu.memory_space<vmem>>) target_semaphore(%arg14 : memref<!tpu.dma_semaphore, #tpu.memory_space<semaphore_mem>>)
    }
    %scan3A_43 = arith.constant 78 : i32
    %add3A_44 = arith.addi %mul3A_11, %mul3A_9 : i32
    %add3A_45 = arith.constant 20096 : i32
    %add3A_46 = arith.addi %add3A_44, %add3A_45 : i32
    %dma_wait3A_47 = tpu.memref_slice %arg3[%add3A_46] : memref<647168xi32, #tpu.memory_space<hbm>> -> memref<128xi32, #tpu.memory_space<hbm>>
    %dma_wait3A_48 = tpu.memref_slice %arg3[%add3A_46] : memref<647168xi32, #tpu.memory_space<hbm>> -> memref<128xi32, #tpu.memory_space<hbm>>
    tpu.wait_dma2 semaphore(%arg14 : memref<!tpu.dma_semaphore, #tpu.memory_space<semaphore_mem>>) src(%dma_wait3A_48 : memref<128xi32, #tpu.memory_space<hbm>>) dst(%arg9 : memref<128xi32, #tpu.memory_space<vmem>>)
    %add3A_49 = arith.constant 20096 : i32
    %add3A_50 = arith.addi %mul3A_9, %add3A_49 : i32
    %dma_wait3A_51 = tpu.memref_slice %arg4[%add3A_50] : memref<323584xi32, #tpu.memory_space<hbm>> -> memref<128xi32, #tpu.memory_space<hbm>>
    %dma_wait3A_52 = tpu.memref_slice %arg4[%add3A_50] : memref<323584xi32, #tpu.memory_space<hbm>> -> memref<128xi32, #tpu.memory_space<hbm>>
    tpu.wait_dma2 semaphore(%arg14 : memref<!tpu.dma_semaphore, #tpu.memory_space<semaphore_mem>>) src(%dma_wait3A_52 : memref<128xi32, #tpu.memory_space<hbm>>) dst(%arg10 : memref<128xi32, #tpu.memory_space<vmem>>)
    %dma_start3A_53 = arith.constant 0 : i32
    %dma_start3A_54 = arith.constant 0 : i32
    %dma_start3A_55 = tpu.memref_slice %arg2[%dma_start3A_53, %dma_start3A_54] : memref<20000x128xf32, #tpu.memory_space<hbm>> -> memref<20000x128xf32, #tpu.memory_space<hbm>>
    tpu.enqueue_indirect_dma source(%dma_start3A_55 : memref<20000x128xf32, #tpu.memory_space<hbm>>) target(%arg11 : memref<128x128xf32, #tpu.memory_space<vmem>>) offsets(%arg9 : memref<128xi32, #tpu.memory_space<vmem>>) semaphore(%arg16 : memref<!tpu.dma_semaphore, #tpu.memory_space<semaphore_mem>>)
    %dma_wait3A_56 = arith.constant 0 : i32
    %dma_wait3A_57 = arith.constant 0 : i32
    %dma_wait3A_58 = tpu.memref_slice %arg2[%dma_wait3A_56, %dma_wait3A_57] : memref<20000x128xf32, #tpu.memory_space<hbm>> -> memref<20000x128xf32, #tpu.memory_space<hbm>>
    tpu.wait_indirect_dma semaphore(%arg15 : memref<!tpu.dma_semaphore, #tpu.memory_space<semaphore_mem>>) src(%dma_wait3A_58 : memref<20000x128xf32, #tpu.memory_space<hbm>>) dst(%arg8 : memref<128x128xf32, #tpu.memory_space<vmem>>)
    "tpu.region"() ({
      %run_scoped3A = tpu.sem_alloc : memref<!tpu.dma_semaphore, #tpu.memory_space<semaphore_mem>>
      %dma_start3A_70 = arith.constant 0 : i32
      %dma_start3A_71 = arith.constant 0 : i32
      %dma_start3A_72 = tpu.memref_slice %arg12[%dma_start3A_70, %dma_start3A_71] : memref<10240x128xf32, #tpu.memory_space<vmem_shared>> -> memref<10240x128xf32, #tpu.memory_space<vmem_shared>>
      tpu.enqueue_indirect_dma source(%arg8 : memref<128x128xf32, #tpu.memory_space<vmem>>) target(%dma_start3A_72 : memref<10240x128xf32, #tpu.memory_space<vmem_shared>>) offsets(%arg7 : memref<128xi32, #tpu.memory_space<vmem>>) semaphore(%run_scoped3A : memref<!tpu.dma_semaphore, #tpu.memory_space<semaphore_mem>>) {add = true}
      %dma_wait3A_73 = arith.constant 0 : i32
      %dma_wait3A_74 = arith.constant 0 : i32
      %dma_wait3A_75 = tpu.memref_slice %arg12[%dma_wait3A_73, %dma_wait3A_74] : memref<10240x128xf32, #tpu.memory_space<vmem_shared>> -> memref<10240x128xf32, #tpu.memory_space<vmem_shared>>
      tpu.wait_indirect_dma semaphore(%run_scoped3A : memref<!tpu.dma_semaphore, #tpu.memory_space<semaphore_mem>>) src(%arg8 : memref<128x128xf32, #tpu.memory_space<vmem>>) dst(%dma_wait3A_75 : memref<10240x128xf32, #tpu.memory_space<vmem_shared>>)
      tpu.yield
    }) : () -> ()
    %dma_wait3A_59 = arith.constant 0 : i32
    %dma_wait3A_60 = arith.constant 0 : i32
    %dma_wait3A_61 = tpu.memref_slice %arg2[%dma_wait3A_59, %dma_wait3A_60] : memref<20000x128xf32, #tpu.memory_space<hbm>> -> memref<20000x128xf32, #tpu.memory_space<hbm>>
    tpu.wait_indirect_dma semaphore(%arg16 : memref<!tpu.dma_semaphore, #tpu.memory_space<semaphore_mem>>) src(%dma_wait3A_61 : memref<20000x128xf32, #tpu.memory_space<hbm>>) dst(%arg11 : memref<128x128xf32, #tpu.memory_space<vmem>>)
    "tpu.region"() ({
      %run_scoped3A = tpu.sem_alloc : memref<!tpu.dma_semaphore, #tpu.memory_space<semaphore_mem>>
      %dma_start3A_70 = arith.constant 0 : i32
      %dma_start3A_71 = arith.constant 0 : i32
      %dma_start3A_72 = tpu.memref_slice %arg12[%dma_start3A_70, %dma_start3A_71] : memref<10240x128xf32, #tpu.memory_space<vmem_shared>> -> memref<10240x128xf32, #tpu.memory_space<vmem_shared>>
      tpu.enqueue_indirect_dma source(%arg11 : memref<128x128xf32, #tpu.memory_space<vmem>>) target(%dma_start3A_72 : memref<10240x128xf32, #tpu.memory_space<vmem_shared>>) offsets(%arg10 : memref<128xi32, #tpu.memory_space<vmem>>) semaphore(%run_scoped3A : memref<!tpu.dma_semaphore, #tpu.memory_space<semaphore_mem>>) {add = true}
      %dma_wait3A_73 = arith.constant 0 : i32
      %dma_wait3A_74 = arith.constant 0 : i32
      %dma_wait3A_75 = tpu.memref_slice %arg12[%dma_wait3A_73, %dma_wait3A_74] : memref<10240x128xf32, #tpu.memory_space<vmem_shared>> -> memref<10240x128xf32, #tpu.memory_space<vmem_shared>>
      tpu.wait_indirect_dma semaphore(%run_scoped3A : memref<!tpu.dma_semaphore, #tpu.memory_space<semaphore_mem>>) src(%arg11 : memref<128x128xf32, #tpu.memory_space<vmem>>) dst(%dma_wait3A_75 : memref<10240x128xf32, #tpu.memory_space<vmem_shared>>)
      tpu.yield
    }) : () -> ()
    %barrier3A_62 = arith.constant 0 : index
    tpu.barrier barrier_id(%barrier3A_62)
    %mul3A_63 = arith.constant 640 : i32
    %mul3A_64 = arith.muli %arg1, %mul3A_63 : i32
    %mul3A_65 = arith.constant 10240 : i32
    %mul3A_66 = arith.muli %arg0, %mul3A_65 : i32
    %mul3A_67 = arith.constant 640 : i32
    %mul3A_68 = arith.muli %arg1, %mul3A_67 : i32
    %add3A_69 = arith.addi %mul3A_66, %mul3A_68 : i32
    "tpu.region"() ({
      %run_scoped3A = tpu.sem_alloc : memref<!tpu.dma_semaphore, #tpu.memory_space<semaphore_mem>>
      %dma_start3A_70 = arith.constant 0 : i32
      %dma_start3A_71 = tpu.memref_slice %arg5[%add3A_69, %dma_start3A_70] : memref<20480x128xf32, #tpu.memory_space<hbm>> -> memref<640x128xf32, #tpu.memory_space<hbm>>
      %dma_start3A_72 = arith.constant 0 : i32
      %dma_start3A_73 = tpu.memref_slice %arg12[%mul3A_64, %dma_start3A_72] : memref<10240x128xf32, #tpu.memory_space<vmem_shared>> -> memref<640x128xf32, #tpu.memory_space<vmem_shared>>
      tpu.enqueue_dma source(%dma_start3A_73 : memref<640x128xf32, #tpu.memory_space<vmem_shared>>) target(%dma_start3A_71 : memref<640x128xf32, #tpu.memory_space<hbm>>) target_semaphore(%run_scoped3A : memref<!tpu.dma_semaphore, #tpu.memory_space<semaphore_mem>>)
      %dma_wait3A_74 = arith.constant 0 : i32
      %dma_wait3A_75 = tpu.memref_slice %arg5[%add3A_69, %dma_wait3A_74] : memref<20480x128xf32, #tpu.memory_space<hbm>> -> memref<640x128xf32, #tpu.memory_space<hbm>>
      %dma_wait3A_76 = arith.constant 0 : i32
      %dma_wait3A_77 = tpu.memref_slice %arg12[%mul3A_64, %dma_wait3A_76] : memref<10240x128xf32, #tpu.memory_space<vmem_shared>> -> memref<640x128xf32, #tpu.memory_space<vmem_shared>>
      tpu.wait_dma2 semaphore(%run_scoped3A : memref<!tpu.dma_semaphore, #tpu.memory_space<semaphore_mem>>) src(%dma_wait3A_77 : memref<640x128xf32, #tpu.memory_space<vmem_shared>>) dst(%dma_wait3A_75 : memref<640x128xf32, #tpu.memory_space<hbm>>)
      tpu.yield
    }) : () -> ()
    return
  }
}

module attributes {stable_mosaic.version = 14 : i64} {
  func.func @_mlp_body(%arg0: i32, %arg1: i32, %arg2: memref<1x400x1536xf32, #tpu.memory_space<vmem>>, %arg3: memref<1536x128xf32, #tpu.memory_space<vmem>>, %arg4: memref<1x128xf32, #tpu.memory_space<vmem>>, %arg5: memref<1x400x128xf32, #tpu.memory_space<vmem>>) attributes {dimension_semantics = [#tpu.dimension_semantics<arbitrary>, #tpu.dimension_semantics<arbitrary>], iteration_bounds = array<i64: 2, 25>, scalar_prefetch = 0 : i64, scratch_operands = 0 : i64, tpu.core_type = #tpu.core_type<tc>, window_params = [{transform_indices = @transform_0, window_bounds = array<i64: 1, 400, 1536>}, {pipeline_mode = #tpu.pipeline_mode<synchronous>, transform_indices = @transform_1, window_bounds = array<i64: 1536, 128>}, {pipeline_mode = #tpu.pipeline_mode<synchronous>, transform_indices = @transform_2, window_bounds = array<i64: 1, 128>}, {transform_indices = @transform_3, window_bounds = array<i64: 1, 400, 128>}]} {
    %get3A = arith.constant 0 : index
    %get3A_0 = arith.constant 0 : index
    %get3A_1 = arith.constant 0 : index
    %get3A_2 = vector.load %arg2[%get3A, %get3A_0, %get3A_1] : memref<1x400x1536xf32, #tpu.memory_space<vmem>>, vector<1x400x1536xf32>
    %get3A_3 = vector.shape_cast %get3A_2 : vector<1x400x1536xf32> to vector<400x1536xf32>
    %get3A_4 = arith.constant 0 : index
    %get3A_5 = arith.constant 0 : index
    %get3A_6 = vector.load %arg3[%get3A_4, %get3A_5] : memref<1536x128xf32, #tpu.memory_space<vmem>>, vector<1536x128xf32>
    %dot_general3A = arith.constant dense<0.000000e+00> : vector<400x128xf32>
    %dot_general3A_7 = tpu.matmul %get3A_3, %get3A_6, %dot_general3A {dimension_numbers = #tpu.dot_dimension_numbers<[1], [0], [0], [1], [0, 0, 1, 1], [], []>, transpose_lhs_hint = false} : vector<400x1536xf32>, vector<1536x128xf32>, vector<400x128xf32> -> vector<400x128xf32>
    %get3A_8 = arith.constant 0 : index
    %get3A_9 = arith.constant 0 : index
    %get3A_10 = vector.load %arg4[%get3A_8, %get3A_9] : memref<1x128xf32, #tpu.memory_space<vmem>>, vector<1x128xf32>
    %add3A = vector.broadcast %get3A_10 : vector<1x128xf32> to vector<400x128xf32>
    %add3A_11 = arith.addf %dot_general3A_7, %add3A : vector<400x128xf32>
    %max3A = arith.constant 0.000000e+00 : f32
    %max3A_12 = vector.broadcast %max3A : f32 to vector<400x128xf32>
    %max3A_13 = arith.maximumf %add3A_11, %max3A_12 : vector<400x128xf32>
    %swap3A = arith.constant 0 : index
    %swap3A_14 = arith.constant 0 : index
    %swap3A_15 = arith.constant 0 : index
    %swap3A_16 = vector.load %arg5[%swap3A, %swap3A_14, %swap3A_15] : memref<1x400x128xf32, #tpu.memory_space<vmem>>, vector<1x400x128xf32>
    %swap3A_17 = vector.shape_cast %swap3A_16 : vector<1x400x128xf32> to vector<400x128xf32>
    %swap3A_18 = vector.shape_cast %max3A_13 : vector<400x128xf32> to vector<1x400x128xf32>
    tpu.vector_store %arg5[%swap3A, %swap3A_14, %swap3A_15], %swap3A_18 {strides = array<i32>} : memref<1x400x128xf32, #tpu.memory_space<vmem>>, vector<1x400x128xf32>,
    return
  }
  func.func @transform_0(%arg0: i32, %arg1: i32) -> (i32, i32, i32) {
    %c0_i32 = arith.constant 0 : i32
    %c0_i32_0 = arith.constant 0 : i32
    return %arg0, %arg1, %c0_i32 : i32, i32, i32
  }
  func.func @transform_1(%arg0: i32, %arg1: i32) -> (i32, i32) {
    %c0_i32 = arith.constant 0 : i32
    %c0_i32_0 = arith.constant 0 : i32
    %c0_i32_1 = arith.constant 0 : i32
    return %c0_i32, %c0_i32_0 : i32, i32
  }
  func.func @transform_2(%arg0: i32, %arg1: i32) -> (i32, i32) {
    %c0_i32 = arith.constant 0 : i32
    %c0_i32_0 = arith.constant 0 : i32
    %c0_i32_1 = arith.constant 0 : i32
    return %c0_i32, %c0_i32_0 : i32, i32
  }
  func.func @transform_3(%arg0: i32, %arg1: i32) -> (i32, i32, i32) {
    %c0_i32 = arith.constant 0 : i32
    %c0_i32_0 = arith.constant 0 : i32
    return %arg0, %arg1, %c0_i32 : i32, i32, i32
  }
}

module attributes {stable_mosaic.version = 14 : i64} {
  func.func @_layer_body(%arg0: i32, %arg1: i32, %arg2: memref<1x400x128xf32, #tpu.memory_space<vmem>>, %arg3: memref<400x128xf32, #tpu.memory_space<vmem>>, %arg4: memref<128x128xf32, #tpu.memory_space<vmem>>, %arg5: memref<1x128xf32, #tpu.memory_space<vmem>>, %arg6: memref<1x400x128xf32, #tpu.memory_space<vmem>>) attributes {dimension_semantics = [#tpu.dimension_semantics<arbitrary>, #tpu.dimension_semantics<arbitrary>], iteration_bounds = array<i64: 2, 25>, scalar_prefetch = 0 : i64, scratch_operands = 0 : i64, tpu.core_type = #tpu.core_type<tc>, window_params = [{transform_indices = @transform_0, window_bounds = array<i64: 1, 400, 128>}, {transform_indices = @transform_1, window_bounds = array<i64: 400, 128>}, {pipeline_mode = #tpu.pipeline_mode<synchronous>, transform_indices = @transform_2, window_bounds = array<i64: 128, 128>}, {pipeline_mode = #tpu.pipeline_mode<synchronous>, transform_indices = @transform_3, window_bounds = array<i64: 1, 128>}, {transform_indices = @transform_4, window_bounds = array<i64: 1, 400, 128>}]} {
    %get3A = arith.constant 0 : index
    %get3A_0 = arith.constant 0 : index
    %get3A_1 = vector.load %arg3[%get3A, %get3A_0] : memref<400x128xf32, #tpu.memory_space<vmem>>, vector<400x1xf32>
    %max3A = arith.constant 1.000000e+00 : f32
    %max3A_2 = vector.broadcast %max3A : f32 to vector<400x1xf32>
    %max3A_3 = arith.maximumf %get3A_1, %max3A_2 : vector<400x1xf32>
    %get3A_4 = arith.constant 0 : index
    %get3A_5 = arith.constant 0 : index
    %get3A_6 = arith.constant 0 : index
    %get3A_7 = vector.load %arg2[%get3A_4, %get3A_5, %get3A_6] : memref<1x400x128xf32, #tpu.memory_space<vmem>>, vector<1x400x128xf32>
    %get3A_8 = vector.shape_cast %get3A_7 : vector<1x400x128xf32> to vector<400x128xf32>
    %div3A = vector.broadcast %max3A_3 : vector<400x1xf32> to vector<400x128xf32>
    %div3A_9 = arith.divf %get3A_8, %div3A : vector<400x128xf32>
    %get3A_10 = arith.constant 0 : index
    %get3A_11 = arith.constant 0 : index
    %get3A_12 = vector.load %arg4[%get3A_10, %get3A_11] : memref<128x128xf32, #tpu.memory_space<vmem>>, vector<128x128xf32>
    %dot_general3A = arith.constant dense<0.000000e+00> : vector<400x128xf32>
    %dot_general3A_13 = tpu.matmul %div3A_9, %get3A_12, %dot_general3A {dimension_numbers = #tpu.dot_dimension_numbers<[1], [0], [0], [1], [0, 0, 1, 1], [], []>, transpose_lhs_hint = false} : vector<400x128xf32>, vector<128x128xf32>, vector<400x128xf32> -> vector<400x128xf32>
    %get3A_14 = arith.constant 0 : index
    %get3A_15 = arith.constant 0 : index
    %get3A_16 = vector.load %arg5[%get3A_14, %get3A_15] : memref<1x128xf32, #tpu.memory_space<vmem>>, vector<1x128xf32>
    %add3A = vector.broadcast %get3A_16 : vector<1x128xf32> to vector<400x128xf32>
    %add3A_17 = arith.addf %dot_general3A_13, %add3A : vector<400x128xf32>
    %max3A_18 = arith.constant 0.000000e+00 : f32
    %max3A_19 = vector.broadcast %max3A_18 : f32 to vector<400x128xf32>
    %max3A_20 = arith.maximumf %add3A_17, %max3A_19 : vector<400x128xf32>
    %swap3A = arith.constant 0 : index
    %swap3A_21 = arith.constant 0 : index
    %swap3A_22 = arith.constant 0 : index
    %swap3A_23 = vector.load %arg6[%swap3A, %swap3A_21, %swap3A_22] : memref<1x400x128xf32, #tpu.memory_space<vmem>>, vector<1x400x128xf32>
    %swap3A_24 = vector.shape_cast %swap3A_23 : vector<1x400x128xf32> to vector<400x128xf32>
    %swap3A_25 = vector.shape_cast %max3A_20 : vector<400x128xf32> to vector<1x400x128xf32>
    tpu.vector_store %arg6[%swap3A, %swap3A_21, %swap3A_22], %swap3A_25 {strides = array<i32>} : memref<1x400x128xf32, #tpu.memory_space<vmem>>, vector<1x400x128xf32>,
    return
  }
  func.func @transform_0(%arg0: i32, %arg1: i32) -> (i32, i32, i32) {
    %c0_i32 = arith.constant 0 : i32
    %c0_i32_0 = arith.constant 0 : i32
    return %arg0, %arg1, %c0_i32 : i32, i32, i32
  }
  func.func @transform_1(%arg0: i32, %arg1: i32) -> (i32, i32) {
    %c0_i32 = arith.constant 0 : i32
    %c0_i32_0 = arith.constant 0 : i32
    return %arg1, %c0_i32 : i32, i32
  }
  func.func @transform_2(%arg0: i32, %arg1: i32) -> (i32, i32) {
    %c0_i32 = arith.constant 0 : i32
    %c0_i32_0 = arith.constant 0 : i32
    %c0_i32_1 = arith.constant 0 : i32
    return %c0_i32, %c0_i32_0 : i32, i32
  }
  func.func @transform_3(%arg0: i32, %arg1: i32) -> (i32, i32) {
    %c0_i32 = arith.constant 0 : i32
    %c0_i32_0 = arith.constant 0 : i32
    %c0_i32_1 = arith.constant 0 : i32
    return %c0_i32, %c0_i32_0 : i32, i32
  }
  func.func @transform_4(%arg0: i32, %arg1: i32) -> (i32, i32, i32) {
    %c0_i32 = arith.constant 0 : i32
    %c0_i32_0 = arith.constant 0 : i32
    return %arg0, %arg1, %c0_i32 : i32, i32, i32
  }
}

module attributes {stable_mosaic.version = 14 : i64} {
  func.func @_layer_body(%arg0: i32, %arg1: i32, %arg2: memref<1x400x128xf32, #tpu.memory_space<vmem>>, %arg3: memref<400x128xf32, #tpu.memory_space<vmem>>, %arg4: memref<128x128xf32, #tpu.memory_space<vmem>>, %arg5: memref<1x128xf32, #tpu.memory_space<vmem>>, %arg6: memref<1x400x128xf32, #tpu.memory_space<vmem>>) attributes {dimension_semantics = [#tpu.dimension_semantics<arbitrary>, #tpu.dimension_semantics<arbitrary>], iteration_bounds = array<i64: 2, 25>, scalar_prefetch = 0 : i64, scratch_operands = 0 : i64, tpu.core_type = #tpu.core_type<tc>, window_params = [{transform_indices = @transform_0, window_bounds = array<i64: 1, 400, 128>}, {transform_indices = @transform_1, window_bounds = array<i64: 400, 128>}, {pipeline_mode = #tpu.pipeline_mode<synchronous>, transform_indices = @transform_2, window_bounds = array<i64: 128, 128>}, {pipeline_mode = #tpu.pipeline_mode<synchronous>, transform_indices = @transform_3, window_bounds = array<i64: 1, 128>}, {transform_indices = @transform_4, window_bounds = array<i64: 1, 400, 128>}]} {
    %get3A = arith.constant 0 : index
    %get3A_0 = arith.constant 0 : index
    %get3A_1 = vector.load %arg3[%get3A, %get3A_0] : memref<400x128xf32, #tpu.memory_space<vmem>>, vector<400x1xf32>
    %max3A = arith.constant 1.000000e+00 : f32
    %max3A_2 = vector.broadcast %max3A : f32 to vector<400x1xf32>
    %max3A_3 = arith.maximumf %get3A_1, %max3A_2 : vector<400x1xf32>
    %get3A_4 = arith.constant 0 : index
    %get3A_5 = arith.constant 0 : index
    %get3A_6 = arith.constant 0 : index
    %get3A_7 = vector.load %arg2[%get3A_4, %get3A_5, %get3A_6] : memref<1x400x128xf32, #tpu.memory_space<vmem>>, vector<1x400x128xf32>
    %get3A_8 = vector.shape_cast %get3A_7 : vector<1x400x128xf32> to vector<400x128xf32>
    %div3A = vector.broadcast %max3A_3 : vector<400x1xf32> to vector<400x128xf32>
    %div3A_9 = arith.divf %get3A_8, %div3A : vector<400x128xf32>
    %get3A_10 = arith.constant 0 : index
    %get3A_11 = arith.constant 0 : index
    %get3A_12 = vector.load %arg4[%get3A_10, %get3A_11] : memref<128x128xf32, #tpu.memory_space<vmem>>, vector<128x128xf32>
    %dot_general3A = arith.constant dense<0.000000e+00> : vector<400x128xf32>
    %dot_general3A_13 = tpu.matmul %div3A_9, %get3A_12, %dot_general3A {dimension_numbers = #tpu.dot_dimension_numbers<[1], [0], [0], [1], [0, 0, 1, 1], [], []>, transpose_lhs_hint = false} : vector<400x128xf32>, vector<128x128xf32>, vector<400x128xf32> -> vector<400x128xf32>
    %get3A_14 = arith.constant 0 : index
    %get3A_15 = arith.constant 0 : index
    %get3A_16 = vector.load %arg5[%get3A_14, %get3A_15] : memref<1x128xf32, #tpu.memory_space<vmem>>, vector<1x128xf32>
    %add3A = vector.broadcast %get3A_16 : vector<1x128xf32> to vector<400x128xf32>
    %add3A_17 = arith.addf %dot_general3A_13, %add3A : vector<400x128xf32>
    %swap3A = arith.constant 0 : index
    %swap3A_18 = arith.constant 0 : index
    %swap3A_19 = arith.constant 0 : index
    %swap3A_20 = vector.load %arg6[%swap3A, %swap3A_18, %swap3A_19] : memref<1x400x128xf32, #tpu.memory_space<vmem>>, vector<1x400x128xf32>
    %swap3A_21 = vector.shape_cast %swap3A_20 : vector<1x400x128xf32> to vector<400x128xf32>
    %swap3A_22 = vector.shape_cast %add3A_17 : vector<400x128xf32> to vector<1x400x128xf32>
    tpu.vector_store %arg6[%swap3A, %swap3A_18, %swap3A_19], %swap3A_22 {strides = array<i32>} : memref<1x400x128xf32, #tpu.memory_space<vmem>>, vector<1x400x128xf32>,
    return
  }
  func.func @transform_0(%arg0: i32, %arg1: i32) -> (i32, i32, i32) {
    %c0_i32 = arith.constant 0 : i32
    %c0_i32_0 = arith.constant 0 : i32
    return %arg0, %arg1, %c0_i32 : i32, i32, i32
  }
  func.func @transform_1(%arg0: i32, %arg1: i32) -> (i32, i32) {
    %c0_i32 = arith.constant 0 : i32
    %c0_i32_0 = arith.constant 0 : i32
    return %arg1, %c0_i32 : i32, i32
  }
  func.func @transform_2(%arg0: i32, %arg1: i32) -> (i32, i32) {
    %c0_i32 = arith.constant 0 : i32
    %c0_i32_0 = arith.constant 0 : i32
    %c0_i32_1 = arith.constant 0 : i32
    return %c0_i32, %c0_i32_0 : i32, i32
  }
  func.func @transform_3(%arg0: i32, %arg1: i32) -> (i32, i32) {
    %c0_i32 = arith.constant 0 : i32
    %c0_i32_0 = arith.constant 0 : i32
    %c0_i32_1 = arith.constant 0 : i32
    return %c0_i32, %c0_i32_0 : i32, i32
  }
  func.func @transform_4(%arg0: i32, %arg1: i32) -> (i32, i32, i32) {
    %c0_i32 = arith.constant 0 : i32
    %c0_i32_0 = arith.constant 0 : i32
    return %arg0, %arg1, %c0_i32 : i32, i32, i32
  }
}

</mosaic_0001>

<sc_bundles>
// kernel: kernel.11.cloned.1.call-start
scs
__scs_entry_jumppad:
0x0: {  	(pc) =	sbr.rel $0x88, $3  }
0x1: {  	(tag) =	ssettag $0x0;
	lr =	simm.s32 $0x1  }
0x2: {  	[smem:$0x3F99] =	sst lr;
	_ =	strace $0xD0000000  }
0x3: {  	_ = 	snop  }
0x4: {  	_ = 	snop  }
0x5: {  	_ = 	snop  }
0x6: {  	_ = 	snop  }
0x7: {  	_ = 	snop  }
__scs_overlays_trampoline_lowered:
0x8: {  	[smem:$0x3FA8] =	sst s0  }
0x9: {  	[smem:$0x3FA9] =	sst s1  }
0xa: {  	[smem:$0x3FAA] =	sst s2  }
0xb: {  	[smem:$0x3FAB] =	sst s3  }
0xc: {  	[smem:$0x3FAC] =	sst s4  }
0xd: {  	[smem:$0x3FAD] =	sst s5  }
0xe: {  	[smem:$0x3FAE] =	sst s6  }
0xf: {  	[smem:$0x3FAF] =	sst s7  }
0x10: {  	[smem:$0x3FB0] =	sst s8  }
0x11: {  	[smem:$0x3FB1] =	sst s9;
	s0 =	simm.s32 @!p0 $0x0  }
0x12: {  	s1 =	sld [smem:$0x3F97];
	s0 =	simm.s32 @p0 $0x1  }
0x13: {  	[smem:$0x3FB2] =	sst s0;
	s0 =	simm.s32 @!p1 $0x0  }
0x14: {  	s2 =	sld [smem:$0x3F96];
	s0 =	simm.s32 @p1 $0x1  }
0x15: {  	[smem:$0x3FB3] =	sst s0;
	s0 =	simm.s32 @!p2 $0x0  }
0x16: {  	s3 =	sld [smem:$0x3FDB];
	s0 =	simm.s32 @p2 $0x1  }
0x17: {  	s4 =	simm.s32 $0x1BF5;
	[smem:$0x3FB5] =	sst s0  }
0x18: {  	s0 =	sld [smem:$0x3F98];
	_ =	swait.ge [sflag:s4], $0x0  }
0x19: {  	s7 =	sld [smem:$0x3F99]  }
0x1a: {  	s8 =	sadd.s32 $0xFFFFE003, lr  }
0x1b: {  	s9 =	sadd.s32 $0xFFFFFEF7, lr;
	s5 =	simm.s32 $0xFFFFFFFF;
	p2 =	slt.u32 s8, $0xFFFFF086  }
0x1c: {  	p1 =	slt.u32 s9, $0xF7A;
	s5 =	simm.s32 @!p2 $0x0  }
0x1d: {  	s5 =	simm.s32 @p1 $0x1;
	p0 =	seq.s32 s7, s2  }
0x1e: {  	s7 =	smul.u32 @!p0 $0xF7A, s2;
	p2 =	seq.s32 @!p0 s5, $0x0  }
0x1f: {  	s9 =	smul.u32 $0xF7A, s1;
	s8 =	simm.s32 @!p0 $0x1BF5;
	p2 =	por !p2, p0  }
0x20: {  	[sflag:s8] =	ssyncset.s32 @!p0 $0xFFFFF086;
	s6 =	sadd.s32 @!p0 s3, s7;
	s7 =	simm.s32 @!p0 $0x108  }
0x21: {  	s3 =	sadd.s32 s3, s9;
	s6 =	sadd.s32 @!p0 $0x88, s6;
	s7 =	simm.s32 @p2 $0x1082  }
0x22: {  	[simem:s7], [sflag:s8] =	dma.local @!p0 [hbm:s6], $0xF7A  }
0x23: {  	s9 =	sor.u32 $0xD0000000, s2;
	s6 =	simm.s32 $0x108;
	_ =	swait.ge @!p0 [sflag:s8], $0x0  }
0x24: {  	s3 =	sadd.s32 $0x88, s3;
	s6 =	simm.s32 @!p1 $0x1082;
	[sflag:s4] =	ssyncset.s32 $0xFFFFF086  }
0x25: {  	[simem:s6], [sflag:s4] =	dma.local [hbm:s3], $0xF7A  }
0x26: {  	[smem:$0x3F99] =	sst s1;
	(tag) =	ssettag s2;
	_ =	strace s9  }
0x27: {  	s1 =	sld [smem:$0x3FA9]  }
0x28: {  	s2 =	sld [smem:$0x3FAA]  }
0x29: {  	s4 =	sld [smem:$0x3FAC]  }
0x2a: {  	p0 =	seq.s32 s5, $0x0;
	s5 =	sld [smem:$0x3FAD]  }
0x2b: {  	s6 =	sld [smem:$0x3FAE]  }
0x2c: {  	s7 =	sld [smem:$0x3FAF]  }
0x2d: {  	s3 =	simm.s32 $0x108;
	s8 =	sld [smem:$0x3FB0]  }
0x2e: {  	s3 =	simm.s32 @!p0 $0x1082;
	s9 =	sld [smem:$0x3FB1]  }
0x2f: {  	lr =	sadd.s32 s0, s3;
	s0 =	sld [smem:$0x3FA8]  }
0x30: {  	s3 =	sld [smem:$0x3FAB]  }
0x31: {  	[smem:$0x3FB4] =	sst s10  }
0x32: {  	s10 =	sld [smem:$0x3FB2];
	_ =	sdelay $0x3  }
0x33: {  	p0 =	seq.s32 s10, $0x1;
	s10 =	sld [smem:$0x3FB4];
	_ =	sdelay $0x3  }
0x34: {  	[smem:$0x3FB4] =	sst s10  }
0x35: {  	s10 =	sld [smem:$0x3FB3];
	_ =	sdelay $0x3  }
0x36: {  	p1 =	seq.s32 s10, $0x1;
	s10 =	sld [smem:$0x3FB4];
	_ =	sdelay $0x3  }
0x37: {  	[smem:$0x3FB4] =	sst s10  }
0x38: {  	s10 =	sld [smem:$0x3FB5]  }
0x39: {  	_ = 	snop;
	(pc) =	sbr.ind lr, $3  }
0x3a: {  	_ = 	snop  }
0x3b: {  	_ = 	snop  }
0x3c: {  	p2 =	seq.s32 s10, $0x1;
	s10 =	sld [smem:$0x3FB4]  }
0x3d: {  	_ =	shalt  }
0x3e: {  	_ =	shalt  }
0x3f: {  	_ =	shalt  }
0x40: {  	_ =	shalt  }
0x41: {  	_ =	shalt  }
0x42: {  	_ =	shalt  }
0x43: {  	_ =	shalt  }
0x44: {  	_ =	shalt  }
0x45: {  	_ =	shalt  }
0x46: {  	_ =	shalt  }
0x47: {  	_ =	shalt  }
0x48: {  	_ =	shalt  }
0x49: {  	_ =	shalt  }
0x4a: {  	_ =	shalt  }
0x4b: {  	_ =	shalt  }
0x4c: {  	_ =	shalt  }
0x4d: {  	_ =	shalt  }
0x4e: {  	_ =	shalt  }
0x4f: {  	_ =	shalt  }
0x50: {  	_ =	shalt  }
0x51: {  	_ =	shalt  }
0x52: {  	_ =	shalt  }
0x53: {  	_ =	shalt  }
0x54: {  	_ =	shalt  }
0x55: {  	_ =	shalt  }
0x56: {  	_ =	shalt  }
0x57: {  	_ =	shalt  }
0x58: {  	_ =	shalt  }
0x59: {  	_ =	shalt  }
0x5a: {  	_ =	shalt  }
0x5b: {  	_ =	shalt  }
0x5c: {  	_ =	shalt  }
0x5d: {  	_ =	shalt  }
0x5e: {  	_ =	shalt  }
0x5f: {  	_ =	shalt  }
0x60: {  	_ =	shalt  }
0x61: {  	_ =	shalt  }
0x62: {  	_ =	shalt  }
0x63: {  	_ =	shalt  }
0x64: {  	_ =	shalt  }
0x65: {  	_ =	shalt  }
0x66: {  	_ =	shalt  }
0x67: {  	_ =	shalt  }
0x68: {  	_ =	shalt  }
0x69: {  	_ =	shalt  }
0x6a: {  	_ =	shalt  }
0x6b: {  	_ =	shalt  }
0x6c: {  	_ =	shalt  }
0x6d: {  	_ =	shalt  }
0x6e: {  	_ =	shalt  }
0x6f: {  	_ =	shalt  }
0x70: {  	_ =	shalt  }
0x71: {  	_ =	shalt  }
0x72: {  	_ =	shalt  }
0x73: {  	_ =	shalt  }
0x74: {  	_ =	shalt  }
0x75: {  	_ =	shalt  }
0x76: {  	_ =	shalt  }
0x77: {  	_ =	shalt  }
0x78: {  	_ =	shalt  }
0x79: {  	_ =	shalt  }
0x7a: {  	_ =	shalt  }
0x7b: {  	_ =	shalt  }
0x7c: {  	_ =	shalt  }
0x7d: {  	_ =	shalt  }
0x7e: {  	_ =	shalt  }
0x7f: {  	_ =	shalt  }
0x80: {  	_ =	shalt  }
0x81: {  	_ =	shalt  }
0x82: {  	_ =	shalt  }
0x83: {  	_ =	shalt  }
0x84: {  	_ =	shalt  }
0x85: {  	_ =	shalt  }
0x86: {  	_ =	shalt  }
0x87: {  	_ =	shalt  }
.Lfunc_end0:
.L_simem_size_0:
called_computation.1_lowered:
.L_overlay_start_0:
0x88: {  	s2 =	sld [smem:$0x3FD9]  }
0x89: {  	s3 =	sld [smem:$0x3FFE];
	_ =	sdelay $0x1  }
0x8a: {  	s1 =	srdreg.scid  }
0x8b: {  	s0 =	sand.u32 $0x1, s1  }
0x8c: {  	s17 =	sshll.u32 s0, $0xA;
	s2 =	sadd.s32 s3, s2  }
0x8d: {  	s2 =	sadd.s32 s2, s17  }
0x8e: {  	[smem:$0x3FC0] =	sst s2  }
0x8f: {  	_ = 	snop  }
0x90: {  	s2 =	sld [smem:$0x3FD0];
	(tm) =	ssettm $0x1  }
0x91: {  	s18 =	sld [smem:$0x3FFB];
	_ =	sdelay $0x3  }
0x92: {  	_ =	strace s18  }
0x93: {  	s3 =	sld [smem:$0x3FFC];
	_ =	sdelay $0x3  }
0x94: {  	_ =	strace s3  }
0x95: {  	s3 =	sld [smem:$0x3FFD];
	_ =	sdelay $0x3  }
0x96: {  	_ =	strace s3  }
0x97: {  	_ =	strace $0x8FFFFFFF  }
0x98: {  	s19 =	sld [smem:$0x3FDB];
	_ =	sdelay $0x1  }
0x99: {  	s4 =	simm.s32 $_scs_section_size  }
0x9a: {  	s5 =	simm.s32 $_size__tile_overlayer_lowered;
	s6 =	simm.s32 $_tile_overlayer_lowered  }
0x9b: {  	s22 =	simm.s32 $0x1BFF;
	s21 =	sshll.u32 s6, $0x1;
	s3 =	sadd.s32 s4, s19  }
0x9c: {  	s7 =	simm.s32 $0x0;
	s20 =	sshll.u32 s5, $0x1;
	s5 =	sadd.s32 s21, s3  }
0x9d: {  	[timem:s7], [sflag:s22] =	dma.local [hbm:s5], s20  }
0x9e: {  	_ =	swait.ge [sflag:s22], s20  }
0x9f: {  	s4 =	ssub.s32 $0x0, s20;
	[sflag:s22] =	ssyncset.done $0x0  }
0xa0: {  	[sflag:s22] =	ssyncadd.s32 s4;
	_ =	sdelay $0x1  }
0xa1: {  	s23 =	simm.s32 $0x1B8B  }
0xa2: {  	_ =	swait.ge [sflag:s23], $0x1  }
0xa3: {  	[sflag:s23] =	ssyncset.done $0x0  }
0xa4: {  	s25 =	simm.s32 $0x1B8E;
	s24 =	sld [smem:$0x3FFE];
	[sflag:s23] =	ssyncadd.s32 $0xFFFFFFFF  }
0xa5: {  	s26 =	simm.s32 $execute0_lowered;
	[smem:$0x3FD2] =	sst s25  }
0xa6: {  	s5 =	sshll.u32 s26, $0x1;
	_ =	strace $0x80000046;
	[dreg:$0x1] =	wrdreg $0xFFFFFFFF  }
0xa7: {  	s28 =	simm.s32 $_size_execute0_lowered;
	s3 =	sadd.s32 s3, s5;
	[dreg:$0x0] =	wrdreg $0x0  }
0xa8: {  	s5 =	sshll.u32 s28, $0x1;
	[dreg:$0x2] =	wrdreg s3  }
0xa9: {  	[dreg:$0x3] =	wrdreg s5  }
0xaa: {  	[dreg:$0x4] =	wrdreg $0xC0  }
0xab: {  	_ =	task [dreg:s7], $0x5FFFF  }
0xac: {  	[dreg:$0x1] =	wrdreg $0xFFFFFFFF  }
0xad: {  	[dreg:$0x0] =	wrdreg $0x60  }
0xae: {  	[dreg:$0x2] =	wrdreg s2  }
0xaf: {  	[dreg:$0x3] =	wrdreg s24  }
0xb0: {  	[dreg:$0x4] =	wrdreg $0x82000  }
0xb1: {  	[dreg:$0x5] =	wrdreg $0xA  }
0xb2: {  	_ =	task.clear_ibuf [dreg:s7], $0x6FFFF;
	_ =	strace $0x90000046  }
0xb3: {  	s29 =	simm.s32 $0xA;
	_ =	strace $0x80000048  }
0xb4: {  	_ =	swait.ge [sflag:s29], $0x1  }
0xb5: {  	[sflag:s29] =	ssyncadd.s32 $0xFFFFFFFF  }
0xb6: {  	_ =	strace $0x90000048  }
0xb7: {  	_ =	sfence  }
0xb8: {  	s30 =	sld [smem:$0x0];
	_ =	sdelay $0x2  }
0xb9: {  	s31 =	sshll.u32 s1, $0xD;
	s1 =	sshrl.u32 s1, $0x2  }
0xba: {  	s3 =	sand.u32 $0x4000, s31;
	s1 =	sadd.s32 s1, s30  }
0xbb: {  	s0 =	sor.u32 s3, s0;
	s1 =	sshll.u32 s1, $0x11  }
0xbc: {  	s0 =	sor.u32 s1, s0  }
0xbd: {  	s0 =	sadd.s32 $0x8F2B, s0  }
0xbe: {  	[sflag:s0] =	ssyncadd.remote.s32 $0x1  }
0xbf: {  	_ =	sfence.sel $0xFFFF  }
0xc0: {  	[dreg:$0x0] =	wrdreg $0xFFFFFFFF;
	(pc) =	sbr.abs _section_cstart, $3  }
0xc1: {  	[dreg:$0x1] =	wrdreg $0xFFFFFFFF  }
0xc2: {  	_ =	task.clear_ibuf [dreg:s7], $0x2FFFF;
	_ =	strace $0x9FFFFFFF  }
0xc3: {  	(tm) =	ssettm $0x7FFFFFFF  }
tec
execute0_lowered:
.L_overlay_start_1:
0x0: {  	(tag) =	ssettag $0x1  }
0x1: {  	s0 =	rddreg [dreg:$0x0]  }
0x2: {  	s1 =	rddreg [dreg:$0x1];
	s2 =	srdreg.scid  }
0x3: {  	s3 =	rddreg [dreg:$0x2];
	s11 =	stileid.u32  }
0x4: {  	s4 =	simm.s32 $0x0;
	s28 =	simm.s32 $0x4200;
	s7 =	smul.u32 $0x2800, s11  }
0x5: {  	s29 =	simm.s32 $0x3;
	s30 =	simm.s32 $0x4;
	s8 =	smul.u32 $0x4F00, s11  }
0x6: {  	s31 =	simm.s32 $0x0;
	s2 =	sand.u32 $0x1, s2;
	s10 =	smul.u32 $0x50000, s11  }
0x7: {  	[smem:$0x7FF] =	sst s4;
	s5 =	sadd.s32 $0x1A00, s1;
	s6 =	smul.u32 $0x28000, s2  }
0x8: {  	s17 =	sadd.s32 $0x15600, s1;
	s9 =	smul.u32 $0x4F000, s2;
	s2 =	ssub.s32 $0x2, s2  }
0x9: {  	s24 =	smul.u32 $0x9E0, s11;
	_ =	strace $0x80000047;
	s19 =	sshrl.u32 s2, $0x1  }
0xa: {  	s21 =	sshrl.u32 s10, $0x2;
	s6 =	sadd.s32 s7, s6;
	s9 =	sadd.s32 s8, s9  }
0xb: {  	s2 =	ssub.s32 s2, s19;
	s8 =	sshrl.u32 s8, $0x3;
	s7 =	sadd.s32 s21, s3  }
0xc: {  	s21 =	simm.s32 $0x5;
	s1 =	sadd.s32 s6, s1;
	s20 =	sshrl.u32 s9, $0x3  }
0xd: {  	s8 =	sadd.s32 s17, s8;
	s12 =	smax.u32 s2, $0x1;
	s13 =	sadd.s32 $0x4000, s7  }
0xe: {  	s14 =	sadd.s32 $0x8000, s7;
	s15 =	sadd.s32 $0xC000, s7;
	s16 =	sadd.s32 $0x10000, s7  }
0xf: {  	s25 =	sadd.s32 $0x180, s9;
	s17 =	sadd.s32 s24, s17;
	s18 =	sadd.s32 $0x100, s9  }
0x10: {  	s24 =	simm.s32 $0x4180;
	s6 =	sadd.s32 s5, s20;
	s23 =	sadd.s32 $0x10, s8  }
0x11: {  	s1 =	sadd.s32 $0x1F400, s1;
	s26 =	sshrl.u32 s25, $0x3;
	s20 =	simm.s32 $0x100  }
0x12: {  	s25 =	simm.s32 $0x1;
	s22 =	sadd.s32 $0x10, s6;
	[dreg:$0x5] =	wrdreg s23  }
0x13: {  	[dreg:$0x6] =	wrdreg s1;
	s19 =	sadd.s32 s26, s5;
	s23 =	simm.s32 $0x4100  }
0x14: {  	v0 =	vimm.f32 $0.0e+00;
	s26 =	simm.s32 $0x2;
	[dreg:$0x4] =	wrdreg s22;
	s22 =	simm.s32 $0x80  }
.LBB2_1:
0x15: {  	s1 =	simm.s32 $0x0;
	s2 =	simm.s32 $0x200  }
.LBB2_2:
0x16: {  	p0 =	sne.s32 s2, $0xFE00;
	[tilespmem:s1+$0x170] =	vst v0  }
0x17: {  	[tilespmem:s1+$0x100] =	vst v0  }
0x18: {  	[tilespmem:s1+$0x110] =	vst v0  }
.Ltmp0:
0x19: {  	[tilespmem:s1+$0x120] =	vst v0;
	(pc) =	sbr.rel @p0 .LBB2_2-.Ltmp0, $4  }
0x1a: {  	[tilespmem:s1+$0x130] =	vst v0  }
0x1b: {  	[tilespmem:s1+$0x140] =	vst v0  }
0x1c: {  	[tilespmem:s1+$0x150] =	vst v0  }
0x1d: {  	[tilespmem:s1+$0x160] =	vst v0;
	s1 =	sshra.s32 s2, $0x2;
	s2 =	sadd.s32 $0x200, s2  }
0x1e: {  	[tilespmem:s1+$0x170] =	vst v0  }
0x1f: {  	[tilespmem:s1+$0x100] =	vst v0  }
0x20: {  	[tilespmem:s1+$0x110] =	vst v0  }
0x21: {  	[tilespmem:s1+$0x120] =	vst v0  }
0x22: {  	[tilespmem:s1+$0x130] =	vst v0  }
0x23: {  	[tilespmem:s1+$0x140] =	vst v0  }
0x24: {  	[tilespmem:s1+$0x150] =	vst v0  }
0x25: {  	[tilespmem:s1+$0x160] =	vst v0  }
0x26: {  	[spmem:s7] =	stream.linear.scatter [tilespmem:s20], [sflag:$0x5], $0x4000, $0x38;
	[tilespmem:$0x1C200] =	vst v63  }
0x27: {  	_ =	swait.ge [sflag:s21], $0x4000  }
0x28: {  	[sflag:s21] =	ssyncset.done $0x0  }
0x29: {  	[sflag:s21] =	ssyncadd.s32 $0xFFFFC000  }
0x2a: {  	[spmem:s13] =	stream.linear.scatter [tilespmem:s20], [sflag:$0x5], $0x4000, $0x38;
	[tilespmem:$0x1C200] =	vst v63  }
0x2b: {  	_ =	swait.ge [sflag:s21], $0x4000  }
0x2c: {  	[sflag:s21] =	ssyncset.done $0x0  }
0x2d: {  	[sflag:s21] =	ssyncadd.s32 $0xFFFFC000  }
0x2e: {  	[spmem:s14] =	stream.linear.scatter [tilespmem:s20], [sflag:$0x5], $0x4000, $0x38;
	[tilespmem:$0x1C200] =	vst v63  }
0x2f: {  	_ =	swait.ge [sflag:s21], $0x4000  }
0x30: {  	[sflag:s21] =	ssyncset.done $0x0  }
0x31: {  	[sflag:s21] =	ssyncadd.s32 $0xFFFFC000  }
0x32: {  	[spmem:s15] =	stream.linear.scatter [tilespmem:s20], [sflag:$0x5], $0x4000, $0x38;
	[tilespmem:$0x1C200] =	vst v63  }
0x33: {  	_ =	swait.ge [sflag:s21], $0x4000  }
0x34: {  	[sflag:s21] =	ssyncset.done $0x0  }
0x35: {  	[sflag:s21] =	ssyncadd.s32 $0xFFFFC000  }
0x36: {  	[spmem:s16] =	stream.linear.scatter [tilespmem:s20], [sflag:$0x5], $0x4000, $0x38;
	[tilespmem:$0x1C200] =	vst v63  }
0x37: {  	_ =	swait.ge [sflag:s21], $0x4000  }
0x38: {  	[sflag:s21] =	ssyncset.done $0x0  }
0x39: {  	[sflag:s21] =	ssyncadd.s32 $0xFFFFC000  }
0x3a: {  	s10 =	simm.s32 $0x0;
	[bflag:$0x0] =	sbarrier.arrive $0xFFFF  }
0x3b: {  	[tilespmem:s10], [sflag:$0x1] =	stream.linear.gather [hbm4b:s6+s10], $0x80, $0x38;
	[tilespmem:$0x1C200] =	vst v63  }
0x3c: {  	_ = 	snop  }
0x3d: {  	[tilespmem:s22], [sflag:$0x1] =	stream.linear.gather [hbm4b:s8+s10], $0x80, $0x38;
	[tilespmem:$0x1C200] =	vst v63  }
0x3e: {  	s2 =	rddreg [dreg:$0x4]  }
0x3f: {  	[tilespmem:s23], [sflag:$0x2] =	stream.linear.gather [hbm4b:s2+s10], $0x80, $0x38;
	[tilespmem:$0x1C200] =	vst v63  }
0x40: {  	s11 =	rddreg [dreg:$0x5]  }
0x41: {  	[tilespmem:s24], [sflag:$0x2] =	stream.linear.gather [hbm4b:s11+s10], $0x80, $0x38;
	[tilespmem:$0x1C200] =	vst v63  }
0x42: {  	_ =	swait.ge [sflag:s25], $0x80  }
0x43: {  	[sflag:s25] =	ssyncset.done $0x0  }
0x44: {  	[sflag:s25] =	ssyncadd.s32 $0xFFFFFF80  }
0x45: {  	_ =	swait.ge [sflag:s25], $0x80  }
0x46: {  	[sflag:s25] =	ssyncset.done $0x0  }
0x47: {  	[sflag:s25] =	ssyncadd.s32 $0xFFFFFF80  }
0x48: {  	[tilespmem:s20], [sflag:$0x3] =	stream.indirect.gather [hbm4b:s0+s22], $0x80, s10, s22, $0xb8;
	[tilespmem:$0x1C200] =	vst v63  }
0x49: {  	_ =	swait.ge [sflag:s26], $0x80  }
0x4a: {  	[sflag:s26] =	ssyncset.done $0x0  }
0x4b: {  	[sflag:s26] =	ssyncadd.s32 $0xFFFFFF80  }
0x4c: {  	_ =	swait.ge [sflag:s26], $0x80  }
0x4d: {  	[sflag:s26] =	ssyncset.done $0x0  }
0x4e: {  	[sflag:s26] =	ssyncadd.s32 $0xFFFFFF80  }
0x4f: {  	[tilespmem:s28], [sflag:$0x4] =	stream.indirect.gather [hbm4b:s0+s22], $0x80, s23, s22, $0xb8;
	[tilespmem:$0x1C200] =	vst v63  }
0x50: {  	_ =	swait.ge [sflag:s29], $0x4000  }
0x51: {  	[sflag:s29] =	ssyncset.done $0x0  }
0x52: {  	[sflag:s29] =	ssyncadd.s32 $0xFFFFC000  }
0x53: {  	[spmem:s3] =	stream.indirect.scatter.add.f32 [tilespmem:s20], [sflag:$0x5], $0x80, s22, s22, $0xb8;
	[tilespmem:$0x1C200] =	vst v63  }
0x54: {  	_ =	swait.ge [sflag:s21], $0x4000  }
0x55: {  	s2 =	sshrl.u32 s18, $0x3;
	[sflag:s21] =	ssyncset.done $0x0  }
0x56: {  	s9 =	sadd.s32 $0x0, s17;
	s1 =	sadd.s32 s5, s2;
	[sflag:s21] =	ssyncadd.s32 $0xFFFFC000  }
0x57: {  	[tilespmem:s4], [sflag:$0x1] =	stream.linear.gather [hbm4b:s1+s4], $0x80, $0x38;
	[tilespmem:$0x1C200] =	vst v63  }
0x58: {  	s10 =	sadd.s32 $0x20, s9  }
0x59: {  	[tilespmem:s22], [sflag:$0x1] =	stream.linear.gather [hbm4b:s10+s4], $0x80, $0x38;
	[tilespmem:$0x1C200] =	vst v63  }
0x5a: {  	_ =	swait.ge [sflag:s25], $0x80  }
0x5b: {  	[sflag:s25] =	ssyncset.done $0x0  }
0x5c: {  	[sflag:s25] =	ssyncadd.s32 $0xFFFFFF80  }
0x5d: {  	_ =	swait.ge [sflag:s25], $0x80  }
0x5e: {  	[sflag:s25] =	ssyncset.done $0x0  }
0x5f: {  	[sflag:s25] =	ssyncadd.s32 $0xFFFFFF80  }
0x60: {  	[tilespmem:s20], [sflag:$0x3] =	stream.indirect.gather [hbm4b:s0+s22], $0x80, s4, s22, $0xb8;
	[tilespmem:$0x1C200] =	vst v63  }
0x61: {  	_ =	swait.ge [sflag:s30], $0x4000  }
0x62: {  	[sflag:s30] =	ssyncset.done $0x0  }
0x63: {  	[sflag:s30] =	ssyncadd.s32 $0xFFFFC000  }
0x64: {  	[spmem:s3] =	stream.indirect.scatter.add.f32 [tilespmem:s28], [sflag:$0x5], $0x80, s24, s22, $0xb8;
	[tilespmem:$0x1C200] =	vst v63  }
0x65: {  	_ =	swait.ge [sflag:s21], $0x4000  }
0x66: {  	s2 =	sadd.s32 $0x100, s18;
	s11 =	sadd.s32 $0x0, s19;
	[sflag:s21] =	ssyncset.done $0x0  }
0x67: {  	s9 =	sadd.s32 $0x30, s9;
	s1 =	simm.s32 $0x20;
	[sflag:s21] =	ssyncadd.s32 $0xFFFFC000  }
0x68: {  	[tilespmem:s23], [sflag:$0x2] =	stream.linear.gather [hbm4b:s11+s4], $0x80, $0x38;
	[tilespmem:$0x1C200] =	vst v63  }
.LBB2_4:
0x69: {  	[tilespmem:s24], [sflag:$0x2] =	stream.linear.gather [hbm4b:s9+s4], $0x80, $0x38;
	[tilespmem:$0x1C200] =	vst v63  }
0x6a: {  	s9 =	smov.u32 s1  }
0x6b: {  	p0 =	sne.s32 s1, $0x9A0;
	s1 =	sadd.s32 $0x20, s1;
	_ =	swait.ge [sflag:s26], $0x80  }
0x6c: {  	[sflag:s26] =	ssyncset.done $0x0  }
0x6d: {  	[sflag:s26] =	ssyncadd.s32 $0xFFFFFF80  }
0x6e: {  	_ =	swait.ge [sflag:s26], $0x80  }
0x6f: {  	[sflag:s26] =	ssyncset.done $0x0  }
0x70: {  	[sflag:s26] =	ssyncadd.s32 $0xFFFFFF80  }
0x71: {  	[tilespmem:s28], [sflag:$0x4] =	stream.indirect.gather [hbm4b:s0+s22], $0x80, s23, s22, $0xb8;
	[tilespmem:$0x1C200] =	vst v63  }
0x72: {  	_ =	swait.ge [sflag:s29], $0x4000  }
0x73: {  	[sflag:s29] =	ssyncset.done $0x0  }
0x74: {  	[sflag:s29] =	ssyncadd.s32 $0xFFFFC000  }
0x75: {  	[spmem:s3] =	stream.indirect.scatter.add.f32 [tilespmem:s20], [sflag:$0x5], $0x80, s22, s22, $0xb8;
	[tilespmem:$0x1C200] =	vst v63  }
0x76: {  	_ =	swait.ge [sflag:s21], $0x4000  }
0x77: {  	s10 =	sshrl.u32 s2, $0x3;
	[sflag:s21] =	ssyncset.done $0x0  }
0x78: {  	s10 =	sadd.s32 s5, s10;
	s11 =	sadd.s32 s9, s17;
	[sflag:s21] =	ssyncadd.s32 $0xFFFFC000  }
0x79: {  	[tilespmem:s4], [sflag:$0x1] =	stream.linear.gather [hbm4b:s10+s4], $0x80, $0x38;
	[tilespmem:$0x1C200] =	vst v63  }
0x7a: {  	s10 =	sadd.s32 $0x20, s11  }
0x7b: {  	[tilespmem:s22], [sflag:$0x1] =	stream.linear.gather [hbm4b:s10+s4], $0x80, $0x38;
	[tilespmem:$0x1C200] =	vst v63  }
0x7c: {  	_ =	swait.ge [sflag:s25], $0x80  }
0x7d: {  	[sflag:s25] =	ssyncset.done $0x0  }
0x7e: {  	[sflag:s25] =	ssyncadd.s32 $0xFFFFFF80  }
0x7f: {  	_ =	swait.ge [sflag:s25], $0x80  }
0x80: {  	[sflag:s25] =	ssyncset.done $0x0  }
0x81: {  	[sflag:s25] =	ssyncadd.s32 $0xFFFFFF80  }
0x82: {  	[tilespmem:s20], [sflag:$0x3] =	stream.indirect.gather [hbm4b:s0+s22], $0x80, s4, s22, $0xb8;
	[tilespmem:$0x1C200] =	vst v63  }
0x83: {  	_ =	swait.ge [sflag:s30], $0x4000  }
0x84: {  	[sflag:s30] =	ssyncset.done $0x0  }
0x85: {  	[sflag:s30] =	ssyncadd.s32 $0xFFFFC000  }
0x86: {  	[spmem:s3] =	stream.indirect.scatter.add.f32 [tilespmem:s28], [sflag:$0x5], $0x80, s24, s22, $0xb8;
	[tilespmem:$0x1C200] =	vst v63  }
.Ltmp1:
0x87: {  	_ =	swait.ge [sflag:s21], $0x4000;
	(pc) =	sbr.rel @p0 .LBB2_4-.Ltmp1, $4  }
0x88: {  	[sflag:s21] =	ssyncset.done $0x0  }
0x89: {  	s9 =	sadd.s32 s9, s19;
	[sflag:s21] =	ssyncadd.s32 $0xFFFFC000  }
0x8a: {  	[tilespmem:s23], [sflag:$0x2] =	stream.linear.gather [hbm4b:s9+s4], $0x80, $0x38;
	[tilespmem:$0x1C200] =	vst v63  }
0x8b: {  	s2 =	sadd.s32 $0x100, s2;
	s9 =	sadd.s32 $0x30, s11  }
0x8c: {  	[tilespmem:s24], [sflag:$0x2] =	stream.linear.gather [hbm4b:s9+s4], $0x80, $0x38;
	[tilespmem:$0x1C200] =	vst v63  }
0x8d: {  	_ =	swait.ge [sflag:s26], $0x80  }
0x8e: {  	[sflag:s26] =	ssyncset.done $0x0  }
0x8f: {  	[sflag:s26] =	ssyncadd.s32 $0xFFFFFF80  }
0x90: {  	_ =	swait.ge [sflag:s26], $0x80  }
0x91: {  	[sflag:s26] =	ssyncset.done $0x0  }
0x92: {  	[sflag:s26] =	ssyncadd.s32 $0xFFFFFF80  }
0x93: {  	[tilespmem:s28], [sflag:$0x4] =	stream.indirect.gather [hbm4b:s0+s22], $0x80, s23, s22, $0xb8;
	[tilespmem:$0x1C200] =	vst v63  }
0x94: {  	_ =	swait.ge [sflag:s29], $0x4000  }
0x95: {  	[sflag:s29] =	ssyncset.done $0x0  }
0x96: {  	[sflag:s29] =	ssyncadd.s32 $0xFFFFC000  }
0x97: {  	[spmem:s3] =	stream.indirect.scatter.add.f32 [tilespmem:s20], [sflag:$0x5], $0x80, s22, s22, $0xb8;
	[tilespmem:$0x1C200] =	vst v63  }
0x98: {  	_ =	swait.ge [sflag:s21], $0x4000  }
0x99: {  	[sflag:s21] =	ssyncset.done $0x0  }
0x9a: {  	[sflag:s21] =	ssyncadd.s32 $0xFFFFC000  }
0x9b: {  	_ =	swait.ge [sflag:s30], $0x4000  }
0x9c: {  	[sflag:s30] =	ssyncset.done $0x0  }
0x9d: {  	[sflag:s30] =	ssyncadd.s32 $0xFFFFC000  }
0x9e: {  	[spmem:s3] =	stream.indirect.scatter.add.f32 [tilespmem:s28], [sflag:$0x5], $0x80, s24, s22, $0xb8;
	[tilespmem:$0x1C200] =	vst v63  }
0x9f: {  	_ =	swait.ge [sflag:s21], $0x4000  }
0xa0: {  	s1 =	stileid.u32;
	[sflag:s21] =	ssyncset.done $0x0  }
0xa1: {  	s2 =	sshrl.u32 s7, $0x3;
	s31 =	sadd.s32 $0x1, s31;
	[sflag:s21] =	ssyncadd.s32 $0xFFFFC000  }
0xa2: {  	s1 =	sshll.u32 s1, $0x6;
	p0 =	sne.s32 s31, s12;
	[bflag:$0x0] =	sbarrier.arrive $0xFFFF  }
.Ltmp2:
0xa3: {  	s1 =	sor.u32 $0x1C05, s1;
	s11 =	rddreg [dreg:$0x6];
	(pc) =	sbr.rel @p0 .LBB2_1-.Ltmp2, $4  }
0xa4: {  	[hbm:s11], [sflag:s1] =	dma.local [spmem:s2], $0x2800  }
0xa5: {  	_ =	swait.ge [sflag:s21], $0x2800  }
0xa6: {  	[sflag:s21] =	ssyncset.done $0x0  }
0xa7: {  	[sflag:s21] =	ssyncadd.s32 $0xFFFFD800  }
0xa8: {  	_ =	sfence.sel $0x180000  }
0xa9: {  	[bflag:$0x0] =	sbarrier.arrive $0xFFFF  }
0xaa: {  	_ =	strace $0x90000047  }
0xab: {  	s0 =	stileid.u32;
	[bflag:$0x2] =	sbarrier.arrive $0xFFFF  }
0xac: {  	p0 =	sne.s32 s0, $0x0;
	s0 =	rddreg [dreg:$0x3]  }
0xad: {  	s0 =	sadd.s32 @!p0 $0x100000, s0  }
0xae: {  	[sflag:s0] =	ssyncadd.tile.s32 @!p0 $0x1;
	_ =	shalt  }
.Lfunc_end2:
_tile_overlayer_lowered:
.L_overlay_start_2:
0xaf: {  	(tag) =	ssettag $0x2  }
0xb0: {  	s0 =	rddreg [dreg:$0x0];
	s2 =	stileid.u32  }
0xb1: {  	s1 =	rddreg [dreg:$0x1];
	p0 =	sne.s32 s2, $0x0  }
0xb2: {  	s3 =	rddreg [dreg:$0x2];
	[bflag:$0x3] =	sbarrier.arrive $0xFFFF;
	s2 =	simm.s32 @!p0 $0x1C05  }
0xb3: {  	[timem:s3], [sflag:s2] =	dma.local @!p0 [hbm:s0], s1  }
0xb4: {  	s0 =	simm.s32 @!p0 $0x5  }
0xb5: {  	_ =	swait.ge @!p0 [sflag:s0], s1  }
0xb6: {  	s1 =	ssub.s32 @!p0 $0x0, s1;
	[sflag:s0] =	ssyncset.done @!p0 $0x0  }
0xb7: {  	[sflag:s0] =	ssyncadd.s32 @!p0 s1  }
0xb8: {  	[bflag:$0x3] =	sbarrier.arrive $0xFFFF  }
0xb9: {  	_ =	shalt  }

// kernel: kernel.14.cloned.1.call-start
scs
__scs_entry_jumppad:
0x0: {  	(pc) =	sbr.rel $0x88, $3  }
0x1: {  	(tag) =	ssettag $0x0;
	lr =	simm.s32 $0x1  }
0x2: {  	[smem:$0x3F99] =	sst lr;
	_ =	strace $0xD0000000  }
0x3: {  	_ = 	snop  }
0x4: {  	_ = 	snop  }
0x5: {  	_ = 	snop  }
0x6: {  	_ = 	snop  }
0x7: {  	_ = 	snop  }
__scs_overlays_trampoline_lowered:
0x8: {  	[smem:$0x3FA8] =	sst s0  }
0x9: {  	[smem:$0x3FA9] =	sst s1  }
0xa: {  	[smem:$0x3FAA] =	sst s2  }
0xb: {  	[smem:$0x3FAB] =	sst s3  }
0xc: {  	[smem:$0x3FAC] =	sst s4  }
0xd: {  	[smem:$0x3FAD] =	sst s5  }
0xe: {  	[smem:$0x3FAE] =	sst s6  }
0xf: {  	[smem:$0x3FAF] =	sst s7  }
0x10: {  	[smem:$0x3FB0] =	sst s8  }
0x11: {  	[smem:$0x3FB1] =	sst s9;
	s0 =	simm.s32 @!p0 $0x0  }
0x12: {  	s1 =	sld [smem:$0x3F97];
	s0 =	simm.s32 @p0 $0x1  }
0x13: {  	[smem:$0x3FB2] =	sst s0;
	s0 =	simm.s32 @!p1 $0x0  }
0x14: {  	s2 =	sld [smem:$0x3F96];
	s0 =	simm.s32 @p1 $0x1  }
0x15: {  	[smem:$0x3FB3] =	sst s0;
	s0 =	simm.s32 @!p2 $0x0  }
0x16: {  	s3 =	sld [smem:$0x3FDB];
	s0 =	simm.s32 @p2 $0x1  }
0x17: {  	s4 =	simm.s32 $0x1BF5;
	[smem:$0x3FB5] =	sst s0  }
0x18: {  	s0 =	sld [smem:$0x3F98];
	_ =	swait.ge [sflag:s4], $0x0  }
0x19: {  	s7 =	sld [smem:$0x3F99]  }
0x1a: {  	s8 =	sadd.s32 $0xFFFFE003, lr  }
0x1b: {  	s9 =	sadd.s32 $0xFFFFFEF7, lr;
	s5 =	simm.s32 $0xFFFFFFFF;
	p2 =	slt.u32 s8, $0xFFFFF086  }
0x1c: {  	p1 =	slt.u32 s9, $0xF7A;
	s5 =	simm.s32 @!p2 $0x0  }
0x1d: {  	s5 =	simm.s32 @p1 $0x1;
	p0 =	seq.s32 s7, s2  }
0x1e: {  	s7 =	smul.u32 @!p0 $0xF7A, s2;
	p2 =	seq.s32 @!p0 s5, $0x0  }
0x1f: {  	s9 =	smul.u32 $0xF7A, s1;
	s8 =	simm.s32 @!p0 $0x1BF5;
	p2 =	por !p2, p0  }
0x20: {  	[sflag:s8] =	ssyncset.s32 @!p0 $0xFFFFF086;
	s6 =	sadd.s32 @!p0 s3, s7;
	s7 =	simm.s32 @!p0 $0x108  }
0x21: {  	s3 =	sadd.s32 s3, s9;
	s6 =	sadd.s32 @!p0 $0x88, s6;
	s7 =	simm.s32 @p2 $0x1082  }
0x22: {  	[simem:s7], [sflag:s8] =	dma.local @!p0 [hbm:s6], $0xF7A  }
0x23: {  	s9 =	sor.u32 $0xD0000000, s2;
	s6 =	simm.s32 $0x108;
	_ =	swait.ge @!p0 [sflag:s8], $0x0  }
0x24: {  	s3 =	sadd.s32 $0x88, s3;
	s6 =	simm.s32 @!p1 $0x1082;
	[sflag:s4] =	ssyncset.s32 $0xFFFFF086  }
0x25: {  	[simem:s6], [sflag:s4] =	dma.local [hbm:s3], $0xF7A  }
0x26: {  	[smem:$0x3F99] =	sst s1;
	(tag) =	ssettag s2;
	_ =	strace s9  }
0x27: {  	s1 =	sld [smem:$0x3FA9]  }
0x28: {  	s2 =	sld [smem:$0x3FAA]  }
0x29: {  	s4 =	sld [smem:$0x3FAC]  }
0x2a: {  	p0 =	seq.s32 s5, $0x0;
	s5 =	sld [smem:$0x3FAD]  }
0x2b: {  	s6 =	sld [smem:$0x3FAE]  }
0x2c: {  	s7 =	sld [smem:$0x3FAF]  }
0x2d: {  	s3 =	simm.s32 $0x108;
	s8 =	sld [smem:$0x3FB0]  }
0x2e: {  	s3 =	simm.s32 @!p0 $0x1082;
	s9 =	sld [smem:$0x3FB1]  }
0x2f: {  	lr =	sadd.s32 s0, s3;
	s0 =	sld [smem:$0x3FA8]  }
0x30: {  	s3 =	sld [smem:$0x3FAB]  }
0x31: {  	[smem:$0x3FB4] =	sst s10  }
0x32: {  	s10 =	sld [smem:$0x3FB2];
	_ =	sdelay $0x3  }
0x33: {  	p0 =	seq.s32 s10, $0x1;
	s10 =	sld [smem:$0x3FB4];
	_ =	sdelay $0x3  }
0x34: {  	[smem:$0x3FB4] =	sst s10  }
0x35: {  	s10 =	sld [smem:$0x3FB3];
	_ =	sdelay $0x3  }
0x36: {  	p1 =	seq.s32 s10, $0x1;
	s10 =	sld [smem:$0x3FB4];
	_ =	sdelay $0x3  }
0x37: {  	[smem:$0x3FB4] =	sst s10  }
0x38: {  	s10 =	sld [smem:$0x3FB5]  }
0x39: {  	_ = 	snop;
	(pc) =	sbr.ind lr, $3  }
0x3a: {  	_ = 	snop  }
0x3b: {  	_ = 	snop  }
0x3c: {  	p2 =	seq.s32 s10, $0x1;
	s10 =	sld [smem:$0x3FB4]  }
0x3d: {  	_ =	shalt  }
0x3e: {  	_ =	shalt  }
0x3f: {  	_ =	shalt  }
0x40: {  	_ =	shalt  }
0x41: {  	_ =	shalt  }
0x42: {  	_ =	shalt  }
0x43: {  	_ =	shalt  }
0x44: {  	_ =	shalt  }
0x45: {  	_ =	shalt  }
0x46: {  	_ =	shalt  }
0x47: {  	_ =	shalt  }
0x48: {  	_ =	shalt  }
0x49: {  	_ =	shalt  }
0x4a: {  	_ =	shalt  }
0x4b: {  	_ =	shalt  }
0x4c: {  	_ =	shalt  }
0x4d: {  	_ =	shalt  }
0x4e: {  	_ =	shalt  }
0x4f: {  	_ =	shalt  }
0x50: {  	_ =	shalt  }
0x51: {  	_ =	shalt  }
0x52: {  	_ =	shalt  }
0x53: {  	_ =	shalt  }
0x54: {  	_ =	shalt  }
0x55: {  	_ =	shalt  }
0x56: {  	_ =	shalt  }
0x57: {  	_ =	shalt  }
0x58: {  	_ =	shalt  }
0x59: {  	_ =	shalt  }
0x5a: {  	_ =	shalt  }
0x5b: {  	_ =	shalt  }
0x5c: {  	_ =	shalt  }
0x5d: {  	_ =	shalt  }
0x5e: {  	_ =	shalt  }
0x5f: {  	_ =	shalt  }
0x60: {  	_ =	shalt  }
0x61: {  	_ =	shalt  }
0x62: {  	_ =	shalt  }
0x63: {  	_ =	shalt  }
0x64: {  	_ =	shalt  }
0x65: {  	_ =	shalt  }
0x66: {  	_ =	shalt  }
0x67: {  	_ =	shalt  }
0x68: {  	_ =	shalt  }
0x69: {  	_ =	shalt  }
0x6a: {  	_ =	shalt  }
0x6b: {  	_ =	shalt  }
0x6c: {  	_ =	shalt  }
0x6d: {  	_ =	shalt  }
0x6e: {  	_ =	shalt  }
0x6f: {  	_ =	shalt  }
0x70: {  	_ =	shalt  }
0x71: {  	_ =	shalt  }
0x72: {  	_ =	shalt  }
0x73: {  	_ =	shalt  }
0x74: {  	_ =	shalt  }
0x75: {  	_ =	shalt  }
0x76: {  	_ =	shalt  }
0x77: {  	_ =	shalt  }
0x78: {  	_ =	shalt  }
0x79: {  	_ =	shalt  }
0x7a: {  	_ =	shalt  }
0x7b: {  	_ =	shalt  }
0x7c: {  	_ =	shalt  }
0x7d: {  	_ =	shalt  }
0x7e: {  	_ =	shalt  }
0x7f: {  	_ =	shalt  }
0x80: {  	_ =	shalt  }
0x81: {  	_ =	shalt  }
0x82: {  	_ =	shalt  }
0x83: {  	_ =	shalt  }
0x84: {  	_ =	shalt  }
0x85: {  	_ =	shalt  }
0x86: {  	_ =	shalt  }
0x87: {  	_ =	shalt  }
.Lfunc_end0:
.L_simem_size_0:
called_computation.2_lowered:
.L_overlay_start_0:
0x88: {  	s2 =	sld [smem:$0x3FD9]  }
0x89: {  	s3 =	sld [smem:$0x3FFE];
	_ =	sdelay $0x1  }
0x8a: {  	s1 =	srdreg.scid  }
0x8b: {  	s0 =	sand.u32 $0x1, s1  }
0x8c: {  	s17 =	sshll.u32 s0, $0xA;
	s2 =	sadd.s32 s3, s2  }
0x8d: {  	s2 =	sadd.s32 s2, s17  }
0x8e: {  	[smem:$0x3FC0] =	sst s2  }
0x8f: {  	_ = 	snop  }
0x90: {  	s2 =	sld [smem:$0x3FD0];
	(tm) =	ssettm $0x1  }
0x91: {  	s18 =	sld [smem:$0x3FFB];
	_ =	sdelay $0x3  }
0x92: {  	_ =	strace s18  }
0x93: {  	s3 =	sld [smem:$0x3FFC];
	_ =	sdelay $0x3  }
0x94: {  	_ =	strace s3  }
0x95: {  	s3 =	sld [smem:$0x3FFD];
	_ =	sdelay $0x3  }
0x96: {  	_ =	strace s3  }
0x97: {  	_ =	strace $0x8FFFFFFF  }
0x98: {  	s19 =	sld [smem:$0x3FDB];
	_ =	sdelay $0x1  }
0x99: {  	s4 =	simm.s32 $_scs_section_size  }
0x9a: {  	s5 =	simm.s32 $_size__tile_overlayer_lowered;
	s6 =	simm.s32 $_tile_overlayer_lowered  }
0x9b: {  	s22 =	simm.s32 $0x1BFF;
	s21 =	sshll.u32 s6, $0x1;
	s3 =	sadd.s32 s4, s19  }
0x9c: {  	s7 =	simm.s32 $0x0;
	s20 =	sshll.u32 s5, $0x1;
	s5 =	sadd.s32 s21, s3  }
0x9d: {  	[timem:s7], [sflag:s22] =	dma.local [hbm:s5], s20  }
0x9e: {  	_ =	swait.ge [sflag:s22], s20  }
0x9f: {  	s4 =	ssub.s32 $0x0, s20;
	[sflag:s22] =	ssyncset.done $0x0  }
0xa0: {  	[sflag:s22] =	ssyncadd.s32 s4;
	_ =	sdelay $0x1  }
0xa1: {  	s23 =	simm.s32 $0x1B8B  }
0xa2: {  	_ =	swait.ge [sflag:s23], $0x1  }
0xa3: {  	[sflag:s23] =	ssyncset.done $0x0  }
0xa4: {  	s25 =	simm.s32 $0x1B8E;
	s24 =	sld [smem:$0x3FFE];
	[sflag:s23] =	ssyncadd.s32 $0xFFFFFFFF  }
0xa5: {  	s26 =	simm.s32 $execute0_lowered;
	[smem:$0x3FD2] =	sst s25  }
0xa6: {  	s5 =	sshll.u32 s26, $0x1;
	_ =	strace $0x8000004C;
	[dreg:$0x1] =	wrdreg $0xFFFFFFFF  }
0xa7: {  	s28 =	simm.s32 $_size_execute0_lowered;
	s3 =	sadd.s32 s3, s5;
	[dreg:$0x0] =	wrdreg $0x0  }
0xa8: {  	s5 =	sshll.u32 s28, $0x1;
	[dreg:$0x2] =	wrdreg s3  }
0xa9: {  	[dreg:$0x3] =	wrdreg s5  }
0xaa: {  	[dreg:$0x4] =	wrdreg $0xC0  }
0xab: {  	_ =	task [dreg:s7], $0x5FFFF  }
0xac: {  	[dreg:$0x1] =	wrdreg $0xFFFFFFFF  }
0xad: {  	[dreg:$0x0] =	wrdreg $0x60  }
0xae: {  	[dreg:$0x2] =	wrdreg s2  }
0xaf: {  	[dreg:$0x3] =	wrdreg s24  }
0xb0: {  	[dreg:$0x4] =	wrdreg $0x82000  }
0xb1: {  	[dreg:$0x5] =	wrdreg $0x9  }
0xb2: {  	_ =	task.clear_ibuf [dreg:s7], $0x6FFFF;
	_ =	strace $0x9000004C  }
0xb3: {  	s29 =	simm.s32 $0x9;
	_ =	strace $0x8000004E  }
0xb4: {  	_ =	swait.ge [sflag:s29], $0x1  }
0xb5: {  	[sflag:s29] =	ssyncadd.s32 $0xFFFFFFFF  }
0xb6: {  	_ =	strace $0x9000004E  }
0xb7: {  	_ =	sfence  }
0xb8: {  	s30 =	sld [smem:$0x0];
	_ =	sdelay $0x2  }
0xb9: {  	s31 =	sshll.u32 s1, $0xD;
	s1 =	sshrl.u32 s1, $0x2  }
0xba: {  	s3 =	sand.u32 $0x4000, s31;
	s1 =	sadd.s32 s1, s30  }
0xbb: {  	s0 =	sor.u32 s3, s0;
	s1 =	sshll.u32 s1, $0x11  }
0xbc: {  	s0 =	sor.u32 s1, s0  }
0xbd: {  	s0 =	sadd.s32 $0x8F2B, s0  }
0xbe: {  	[sflag:s0] =	ssyncadd.remote.s32 $0x1  }
0xbf: {  	_ =	sfence.sel $0xFFFF  }
0xc0: {  	[dreg:$0x0] =	wrdreg $0xFFFFFFFF;
	(pc) =	sbr.abs _section_cstart, $3  }
0xc1: {  	[dreg:$0x1] =	wrdreg $0xFFFFFFFF  }
0xc2: {  	_ =	task.clear_ibuf [dreg:s7], $0x2FFFF;
	_ =	strace $0x9FFFFFFF  }
0xc3: {  	(tm) =	ssettm $0x7FFFFFFF  }
tec
execute0_lowered:
.L_overlay_start_1:
0x0: {  	(tag) =	ssettag $0x1  }
0x1: {  	s0 =	rddreg [dreg:$0x0]  }
0x2: {  	s1 =	rddreg [dreg:$0x1];
	s2 =	srdreg.scid  }
0x3: {  	s3 =	rddreg [dreg:$0x2];
	s11 =	stileid.u32  }
0x4: {  	s4 =	simm.s32 $0x0;
	s28 =	simm.s32 $0x4200;
	s7 =	smul.u32 $0x2800, s11  }
0x5: {  	s29 =	simm.s32 $0x3;
	s30 =	simm.s32 $0x4;
	s8 =	smul.u32 $0x4F00, s11  }
0x6: {  	s31 =	simm.s32 $0x0;
	s2 =	sand.u32 $0x1, s2;
	s10 =	smul.u32 $0x50000, s11  }
0x7: {  	[smem:$0x7FF] =	sst s4;
	s5 =	sadd.s32 $0x1A00, s1;
	s6 =	smul.u32 $0x28000, s2  }
0x8: {  	s17 =	sadd.s32 $0x15600, s1;
	s9 =	smul.u32 $0x4F000, s2;
	s2 =	ssub.s32 $0x2, s2  }
0x9: {  	s24 =	smul.u32 $0x9E0, s11;
	_ =	strace $0x8000004D;
	s19 =	sshrl.u32 s2, $0x1  }
0xa: {  	s21 =	sshrl.u32 s10, $0x2;
	s6 =	sadd.s32 s7, s6;
	s9 =	sadd.s32 s8, s9  }
0xb: {  	s2 =	ssub.s32 s2, s19;
	s8 =	sshrl.u32 s8, $0x3;
	s7 =	sadd.s32 s21, s3  }
0xc: {  	s21 =	simm.s32 $0x5;
	s1 =	sadd.s32 s6, s1;
	s20 =	sshrl.u32 s9, $0x3  }
0xd: {  	s8 =	sadd.s32 s17, s8;
	s12 =	smax.u32 s2, $0x1;
	s13 =	sadd.s32 $0x4000, s7  }
0xe: {  	s14 =	sadd.s32 $0x8000, s7;
	s15 =	sadd.s32 $0xC000, s7;
	s16 =	sadd.s32 $0x10000, s7  }
0xf: {  	s25 =	sadd.s32 $0x180, s9;
	s17 =	sadd.s32 s24, s17;
	s18 =	sadd.s32 $0x100, s9  }
0x10: {  	s24 =	simm.s32 $0x4180;
	s6 =	sadd.s32 s5, s20;
	s23 =	sadd.s32 $0x10, s8  }
0x11: {  	s1 =	sadd.s32 $0x1F400, s1;
	s26 =	sshrl.u32 s25, $0x3;
	s20 =	simm.s32 $0x100  }
0x12: {  	s25 =	simm.s32 $0x1;
	s22 =	sadd.s32 $0x10, s6;
	[dreg:$0x5] =	wrdreg s23  }
0x13: {  	[dreg:$0x6] =	wrdreg s1;
	s19 =	sadd.s32 s26, s5;
	s23 =	simm.s32 $0x4100  }
0x14: {  	v0 =	vimm.f32 $0.0e+00;
	s26 =	simm.s32 $0x2;
	[dreg:$0x4] =	wrdreg s22;
	s22 =	simm.s32 $0x80  }
.LBB2_1:
0x15: {  	s1 =	simm.s32 $0x0;
	s2 =	simm.s32 $0x200  }
.LBB2_2:
0x16: {  	p0 =	sne.s32 s2, $0xFE00;
	[tilespmem:s1+$0x170] =	vst v0  }
0x17: {  	[tilespmem:s1+$0x100] =	vst v0  }
0x18: {  	[tilespmem:s1+$0x110] =	vst v0  }
.Ltmp0:
0x19: {  	[tilespmem:s1+$0x120] =	vst v0;
	(pc) =	sbr.rel @p0 .LBB2_2-.Ltmp0, $4  }
0x1a: {  	[tilespmem:s1+$0x130] =	vst v0  }
0x1b: {  	[tilespmem:s1+$0x140] =	vst v0  }
0x1c: {  	[tilespmem:s1+$0x150] =	vst v0  }
0x1d: {  	[tilespmem:s1+$0x160] =	vst v0;
	s1 =	sshra.s32 s2, $0x2;
	s2 =	sadd.s32 $0x200, s2  }
0x1e: {  	[tilespmem:s1+$0x170] =	vst v0  }
0x1f: {  	[tilespmem:s1+$0x100] =	vst v0  }
0x20: {  	[tilespmem:s1+$0x110] =	vst v0  }
0x21: {  	[tilespmem:s1+$0x120] =	vst v0  }
0x22: {  	[tilespmem:s1+$0x130] =	vst v0  }
0x23: {  	[tilespmem:s1+$0x140] =	vst v0  }
0x24: {  	[tilespmem:s1+$0x150] =	vst v0  }
0x25: {  	[tilespmem:s1+$0x160] =	vst v0  }
0x26: {  	[spmem:s7] =	stream.linear.scatter [tilespmem:s20], [sflag:$0x5], $0x4000, $0x38;
	[tilespmem:$0x1C200] =	vst v63  }
0x27: {  	_ =	swait.ge [sflag:s21], $0x4000  }
0x28: {  	[sflag:s21] =	ssyncset.done $0x0  }
0x29: {  	[sflag:s21] =	ssyncadd.s32 $0xFFFFC000  }
0x2a: {  	[spmem:s13] =	stream.linear.scatter [tilespmem:s20], [sflag:$0x5], $0x4000, $0x38;
	[tilespmem:$0x1C200] =	vst v63  }
0x2b: {  	_ =	swait.ge [sflag:s21], $0x4000  }
0x2c: {  	[sflag:s21] =	ssyncset.done $0x0  }
0x2d: {  	[sflag:s21] =	ssyncadd.s32 $0xFFFFC000  }
0x2e: {  	[spmem:s14] =	stream.linear.scatter [tilespmem:s20], [sflag:$0x5], $0x4000, $0x38;
	[tilespmem:$0x1C200] =	vst v63  }
0x2f: {  	_ =	swait.ge [sflag:s21], $0x4000  }
0x30: {  	[sflag:s21] =	ssyncset.done $0x0  }
0x31: {  	[sflag:s21] =	ssyncadd.s32 $0xFFFFC000  }
0x32: {  	[spmem:s15] =	stream.linear.scatter [tilespmem:s20], [sflag:$0x5], $0x4000, $0x38;
	[tilespmem:$0x1C200] =	vst v63  }
0x33: {  	_ =	swait.ge [sflag:s21], $0x4000  }
0x34: {  	[sflag:s21] =	ssyncset.done $0x0  }
0x35: {  	[sflag:s21] =	ssyncadd.s32 $0xFFFFC000  }
0x36: {  	[spmem:s16] =	stream.linear.scatter [tilespmem:s20], [sflag:$0x5], $0x4000, $0x38;
	[tilespmem:$0x1C200] =	vst v63  }
0x37: {  	_ =	swait.ge [sflag:s21], $0x4000  }
0x38: {  	[sflag:s21] =	ssyncset.done $0x0  }
0x39: {  	[sflag:s21] =	ssyncadd.s32 $0xFFFFC000  }
0x3a: {  	s10 =	simm.s32 $0x0;
	[bflag:$0x0] =	sbarrier.arrive $0xFFFF  }
0x3b: {  	[tilespmem:s10], [sflag:$0x1] =	stream.linear.gather [hbm4b:s6+s10], $0x80, $0x38;
	[tilespmem:$0x1C200] =	vst v63  }
0x3c: {  	_ = 	snop  }
0x3d: {  	[tilespmem:s22], [sflag:$0x1] =	stream.linear.gather [hbm4b:s8+s10], $0x80, $0x38;
	[tilespmem:$0x1C200] =	vst v63  }
0x3e: {  	s2 =	rddreg [dreg:$0x4]  }
0x3f: {  	[tilespmem:s23], [sflag:$0x2] =	stream.linear.gather [hbm4b:s2+s10], $0x80, $0x38;
	[tilespmem:$0x1C200] =	vst v63  }
0x40: {  	s11 =	rddreg [dreg:$0x5]  }
0x41: {  	[tilespmem:s24], [sflag:$0x2] =	stream.linear.gather [hbm4b:s11+s10], $0x80, $0x38;
	[tilespmem:$0x1C200] =	vst v63  }
0x42: {  	_ =	swait.ge [sflag:s25], $0x80  }
0x43: {  	[sflag:s25] =	ssyncset.done $0x0  }
0x44: {  	[sflag:s25] =	ssyncadd.s32 $0xFFFFFF80  }
0x45: {  	_ =	swait.ge [sflag:s25], $0x80  }
0x46: {  	[sflag:s25] =	ssyncset.done $0x0  }
0x47: {  	[sflag:s25] =	ssyncadd.s32 $0xFFFFFF80  }
0x48: {  	[tilespmem:s20], [sflag:$0x3] =	stream.indirect.gather [hbm4b:s0+s22], $0x80, s10, s22, $0xb8;
	[tilespmem:$0x1C200] =	vst v63  }
0x49: {  	_ =	swait.ge [sflag:s26], $0x80  }
0x4a: {  	[sflag:s26] =	ssyncset.done $0x0  }
0x4b: {  	[sflag:s26] =	ssyncadd.s32 $0xFFFFFF80  }
0x4c: {  	_ =	swait.ge [sflag:s26], $0x80  }
0x4d: {  	[sflag:s26] =	ssyncset.done $0x0  }
0x4e: {  	[sflag:s26] =	ssyncadd.s32 $0xFFFFFF80  }
0x4f: {  	[tilespmem:s28], [sflag:$0x4] =	stream.indirect.gather [hbm4b:s0+s22], $0x80, s23, s22, $0xb8;
	[tilespmem:$0x1C200] =	vst v63  }
0x50: {  	_ =	swait.ge [sflag:s29], $0x4000  }
0x51: {  	[sflag:s29] =	ssyncset.done $0x0  }
0x52: {  	[sflag:s29] =	ssyncadd.s32 $0xFFFFC000  }
0x53: {  	[spmem:s3] =	stream.indirect.scatter.add.f32 [tilespmem:s20], [sflag:$0x5], $0x80, s22, s22, $0xb8;
	[tilespmem:$0x1C200] =	vst v63  }
0x54: {  	_ =	swait.ge [sflag:s21], $0x4000  }
0x55: {  	s2 =	sshrl.u32 s18, $0x3;
	[sflag:s21] =	ssyncset.done $0x0  }
0x56: {  	s9 =	sadd.s32 $0x0, s17;
	s1 =	sadd.s32 s5, s2;
	[sflag:s21] =	ssyncadd.s32 $0xFFFFC000  }
0x57: {  	[tilespmem:s4], [sflag:$0x1] =	stream.linear.gather [hbm4b:s1+s4], $0x80, $0x38;
	[tilespmem:$0x1C200] =	vst v63  }
0x58: {  	s10 =	sadd.s32 $0x20, s9  }
0x59: {  	[tilespmem:s22], [sflag:$0x1] =	stream.linear.gather [hbm4b:s10+s4], $0x80, $0x38;
	[tilespmem:$0x1C200] =	vst v63  }
0x5a: {  	_ =	swait.ge [sflag:s25], $0x80  }
0x5b: {  	[sflag:s25] =	ssyncset.done $0x0  }
0x5c: {  	[sflag:s25] =	ssyncadd.s32 $0xFFFFFF80  }
0x5d: {  	_ =	swait.ge [sflag:s25], $0x80  }
0x5e: {  	[sflag:s25] =	ssyncset.done $0x0  }
0x5f: {  	[sflag:s25] =	ssyncadd.s32 $0xFFFFFF80  }
0x60: {  	[tilespmem:s20], [sflag:$0x3] =	stream.indirect.gather [hbm4b:s0+s22], $0x80, s4, s22, $0xb8;
	[tilespmem:$0x1C200] =	vst v63  }
0x61: {  	_ =	swait.ge [sflag:s30], $0x4000  }
0x62: {  	[sflag:s30] =	ssyncset.done $0x0  }
0x63: {  	[sflag:s30] =	ssyncadd.s32 $0xFFFFC000  }
0x64: {  	[spmem:s3] =	stream.indirect.scatter.add.f32 [tilespmem:s28], [sflag:$0x5], $0x80, s24, s22, $0xb8;
	[tilespmem:$0x1C200] =	vst v63  }
0x65: {  	_ =	swait.ge [sflag:s21], $0x4000  }
0x66: {  	s2 =	sadd.s32 $0x100, s18;
	s11 =	sadd.s32 $0x0, s19;
	[sflag:s21] =	ssyncset.done $0x0  }
0x67: {  	s9 =	sadd.s32 $0x30, s9;
	s1 =	simm.s32 $0x20;
	[sflag:s21] =	ssyncadd.s32 $0xFFFFC000  }
0x68: {  	[tilespmem:s23], [sflag:$0x2] =	stream.linear.gather [hbm4b:s11+s4], $0x80, $0x38;
	[tilespmem:$0x1C200] =	vst v63  }
.LBB2_4:
0x69: {  	[tilespmem:s24], [sflag:$0x2] =	stream.linear.gather [hbm4b:s9+s4], $0x80, $0x38;
	[tilespmem:$0x1C200] =	vst v63  }
0x6a: {  	s9 =	smov.u32 s1  }
0x6b: {  	p0 =	sne.s32 s1, $0x9A0;
	s1 =	sadd.s32 $0x20, s1;
	_ =	swait.ge [sflag:s26], $0x80  }
0x6c: {  	[sflag:s26] =	ssyncset.done $0x0  }
0x6d: {  	[sflag:s26] =	ssyncadd.s32 $0xFFFFFF80  }
0x6e: {  	_ =	swait.ge [sflag:s26], $0x80  }
0x6f: {  	[sflag:s26] =	ssyncset.done $0x0  }
0x70: {  	[sflag:s26] =	ssyncadd.s32 $0xFFFFFF80  }
0x71: {  	[tilespmem:s28], [sflag:$0x4] =	stream.indirect.gather [hbm4b:s0+s22], $0x80, s23, s22, $0xb8;
	[tilespmem:$0x1C200] =	vst v63  }
0x72: {  	_ =	swait.ge [sflag:s29], $0x4000  }
0x73: {  	[sflag:s29] =	ssyncset.done $0x0  }
0x74: {  	[sflag:s29] =	ssyncadd.s32 $0xFFFFC000  }
0x75: {  	[spmem:s3] =	stream.indirect.scatter.add.f32 [tilespmem:s20], [sflag:$0x5], $0x80, s22, s22, $0xb8;
	[tilespmem:$0x1C200] =	vst v63  }
0x76: {  	_ =	swait.ge [sflag:s21], $0x4000  }
0x77: {  	s10 =	sshrl.u32 s2, $0x3;
	[sflag:s21] =	ssyncset.done $0x0  }
0x78: {  	s10 =	sadd.s32 s5, s10;
	s11 =	sadd.s32 s9, s17;
	[sflag:s21] =	ssyncadd.s32 $0xFFFFC000  }
0x79: {  	[tilespmem:s4], [sflag:$0x1] =	stream.linear.gather [hbm4b:s10+s4], $0x80, $0x38;
	[tilespmem:$0x1C200] =	vst v63  }
0x7a: {  	s10 =	sadd.s32 $0x20, s11  }
0x7b: {  	[tilespmem:s22], [sflag:$0x1] =	stream.linear.gather [hbm4b:s10+s4], $0x80, $0x38;
	[tilespmem:$0x1C200] =	vst v63  }
0x7c: {  	_ =	swait.ge [sflag:s25], $0x80  }
0x7d: {  	[sflag:s25] =	ssyncset.done $0x0  }
0x7e: {  	[sflag:s25] =	ssyncadd.s32 $0xFFFFFF80  }
0x7f: {  	_ =	swait.ge [sflag:s25], $0x80  }
0x80: {  	[sflag:s25] =	ssyncset.done $0x0  }
0x81: {  	[sflag:s25] =	ssyncadd.s32 $0xFFFFFF80  }
0x82: {  	[tilespmem:s20], [sflag:$0x3] =	stream.indirect.gather [hbm4b:s0+s22], $0x80, s4, s22, $0xb8;
	[tilespmem:$0x1C200] =	vst v63  }
0x83: {  	_ =	swait.ge [sflag:s30], $0x4000  }
0x84: {  	[sflag:s30] =	ssyncset.done $0x0  }
0x85: {  	[sflag:s30] =	ssyncadd.s32 $0xFFFFC000  }
0x86: {  	[spmem:s3] =	stream.indirect.scatter.add.f32 [tilespmem:s28], [sflag:$0x5], $0x80, s24, s22, $0xb8;
	[tilespmem:$0x1C200] =	vst v63  }
.Ltmp1:
0x87: {  	_ =	swait.ge [sflag:s21], $0x4000;
	(pc) =	sbr.rel @p0 .LBB2_4-.Ltmp1, $4  }
0x88: {  	[sflag:s21] =	ssyncset.done $0x0  }
0x89: {  	s9 =	sadd.s32 s9, s19;
	[sflag:s21] =	ssyncadd.s32 $0xFFFFC000  }
0x8a: {  	[tilespmem:s23], [sflag:$0x2] =	stream.linear.gather [hbm4b:s9+s4], $0x80, $0x38;
	[tilespmem:$0x1C200] =	vst v63  }
0x8b: {  	s2 =	sadd.s32 $0x100, s2;
	s9 =	sadd.s32 $0x30, s11  }
0x8c: {  	[tilespmem:s24], [sflag:$0x2] =	stream.linear.gather [hbm4b:s9+s4], $0x80, $0x38;
	[tilespmem:$0x1C200] =	vst v63  }
0x8d: {  	_ =	swait.ge [sflag:s26], $0x80  }
0x8e: {  	[sflag:s26] =	ssyncset.done $0x0  }
0x8f: {  	[sflag:s26] =	ssyncadd.s32 $0xFFFFFF80  }
0x90: {  	_ =	swait.ge [sflag:s26], $0x80  }
0x91: {  	[sflag:s26] =	ssyncset.done $0x0  }
0x92: {  	[sflag:s26] =	ssyncadd.s32 $0xFFFFFF80  }
0x93: {  	[tilespmem:s28], [sflag:$0x4] =	stream.indirect.gather [hbm4b:s0+s22], $0x80, s23, s22, $0xb8;
	[tilespmem:$0x1C200] =	vst v63  }
0x94: {  	_ =	swait.ge [sflag:s29], $0x4000  }
0x95: {  	[sflag:s29] =	ssyncset.done $0x0  }
0x96: {  	[sflag:s29] =	ssyncadd.s32 $0xFFFFC000  }
0x97: {  	[spmem:s3] =	stream.indirect.scatter.add.f32 [tilespmem:s20], [sflag:$0x5], $0x80, s22, s22, $0xb8;
	[tilespmem:$0x1C200] =	vst v63  }
0x98: {  	_ =	swait.ge [sflag:s21], $0x4000  }
0x99: {  	[sflag:s21] =	ssyncset.done $0x0  }
0x9a: {  	[sflag:s21] =	ssyncadd.s32 $0xFFFFC000  }
0x9b: {  	_ =	swait.ge [sflag:s30], $0x4000  }
0x9c: {  	[sflag:s30] =	ssyncset.done $0x0  }
0x9d: {  	[sflag:s30] =	ssyncadd.s32 $0xFFFFC000  }
0x9e: {  	[spmem:s3] =	stream.indirect.scatter.add.f32 [tilespmem:s28], [sflag:$0x5], $0x80, s24, s22, $0xb8;
	[tilespmem:$0x1C200] =	vst v63  }
0x9f: {  	_ =	swait.ge [sflag:s21], $0x4000  }
0xa0: {  	s1 =	stileid.u32;
	[sflag:s21] =	ssyncset.done $0x0  }
0xa1: {  	s2 =	sshrl.u32 s7, $0x3;
	s31 =	sadd.s32 $0x1, s31;
	[sflag:s21] =	ssyncadd.s32 $0xFFFFC000  }
0xa2: {  	s1 =	sshll.u32 s1, $0x6;
	p0 =	sne.s32 s31, s12;
	[bflag:$0x0] =	sbarrier.arrive $0xFFFF  }
.Ltmp2:
0xa3: {  	s1 =	sor.u32 $0x1C05, s1;
	s11 =	rddreg [dreg:$0x6];
	(pc) =	sbr.rel @p0 .LBB2_1-.Ltmp2, $4  }
0xa4: {  	[hbm:s11], [sflag:s1] =	dma.local [spmem:s2], $0x2800  }
0xa5: {  	_ =	swait.ge [sflag:s21], $0x2800  }
0xa6: {  	[sflag:s21] =	ssyncset.done $0x0  }
0xa7: {  	[sflag:s21] =	ssyncadd.s32 $0xFFFFD800  }
0xa8: {  	_ =	sfence.sel $0x180000  }
0xa9: {  	[bflag:$0x0] =	sbarrier.arrive $0xFFFF  }
0xaa: {  	_ =	strace $0x9000004D  }
0xab: {  	s0 =	stileid.u32;
	[bflag:$0x2] =	sbarrier.arrive $0xFFFF  }
0xac: {  	p0 =	sne.s32 s0, $0x0;
	s0 =	rddreg [dreg:$0x3]  }
0xad: {  	s0 =	sadd.s32 @!p0 $0x100000, s0  }
0xae: {  	[sflag:s0] =	ssyncadd.tile.s32 @!p0 $0x1;
	_ =	shalt  }
.Lfunc_end2:
_tile_overlayer_lowered:
.L_overlay_start_2:
0xaf: {  	(tag) =	ssettag $0x2  }
0xb0: {  	s0 =	rddreg [dreg:$0x0];
	s2 =	stileid.u32  }
0xb1: {  	s1 =	rddreg [dreg:$0x1];
	p0 =	sne.s32 s2, $0x0  }
0xb2: {  	s3 =	rddreg [dreg:$0x2];
	[bflag:$0x3] =	sbarrier.arrive $0xFFFF;
	s2 =	simm.s32 @!p0 $0x1C05  }
0xb3: {  	[timem:s3], [sflag:s2] =	dma.local @!p0 [hbm:s0], s1  }
0xb4: {  	s0 =	simm.s32 @!p0 $0x5  }
0xb5: {  	_ =	swait.ge @!p0 [sflag:s0], s1  }
0xb6: {  	s1 =	ssub.s32 @!p0 $0x0, s1;
	[sflag:s0] =	ssyncset.done @!p0 $0x0  }
0xb7: {  	[sflag:s0] =	ssyncadd.s32 @!p0 s1  }
0xb8: {  	[bflag:$0x3] =	sbarrier.arrive $0xFFFF  }
0xb9: {  	_ =	shalt  }

// kernel: kernel.8.cloned.1.call-start
scs
__scs_entry_jumppad:
0x0: {  	(pc) =	sbr.rel $0x88, $3  }
0x1: {  	(tag) =	ssettag $0x0;
	lr =	simm.s32 $0x1  }
0x2: {  	[smem:$0x3F99] =	sst lr;
	_ =	strace $0xD0000000  }
0x3: {  	_ = 	snop  }
0x4: {  	_ = 	snop  }
0x5: {  	_ = 	snop  }
0x6: {  	_ = 	snop  }
0x7: {  	_ = 	snop  }
__scs_overlays_trampoline_lowered:
0x8: {  	[smem:$0x3FA8] =	sst s0  }
0x9: {  	[smem:$0x3FA9] =	sst s1  }
0xa: {  	[smem:$0x3FAA] =	sst s2  }
0xb: {  	[smem:$0x3FAB] =	sst s3  }
0xc: {  	[smem:$0x3FAC] =	sst s4  }
0xd: {  	[smem:$0x3FAD] =	sst s5  }
0xe: {  	[smem:$0x3FAE] =	sst s6  }
0xf: {  	[smem:$0x3FAF] =	sst s7  }
0x10: {  	[smem:$0x3FB0] =	sst s8  }
0x11: {  	[smem:$0x3FB1] =	sst s9;
	s0 =	simm.s32 @!p0 $0x0  }
0x12: {  	s1 =	sld [smem:$0x3F97];
	s0 =	simm.s32 @p0 $0x1  }
0x13: {  	[smem:$0x3FB2] =	sst s0;
	s0 =	simm.s32 @!p1 $0x0  }
0x14: {  	s2 =	sld [smem:$0x3F96];
	s0 =	simm.s32 @p1 $0x1  }
0x15: {  	[smem:$0x3FB3] =	sst s0;
	s0 =	simm.s32 @!p2 $0x0  }
0x16: {  	s3 =	sld [smem:$0x3FDB];
	s0 =	simm.s32 @p2 $0x1  }
0x17: {  	s4 =	simm.s32 $0x1BF5;
	[smem:$0x3FB5] =	sst s0  }
0x18: {  	s0 =	sld [smem:$0x3F98];
	_ =	swait.ge [sflag:s4], $0x0  }
0x19: {  	s7 =	sld [smem:$0x3F99]  }
0x1a: {  	s8 =	sadd.s32 $0xFFFFE003, lr  }
0x1b: {  	s9 =	sadd.s32 $0xFFFFFEF7, lr;
	s5 =	simm.s32 $0xFFFFFFFF;
	p2 =	slt.u32 s8, $0xFFFFF086  }
0x1c: {  	p1 =	slt.u32 s9, $0xF7A;
	s5 =	simm.s32 @!p2 $0x0  }
0x1d: {  	s5 =	simm.s32 @p1 $0x1;
	p0 =	seq.s32 s7, s2  }
0x1e: {  	s7 =	smul.u32 @!p0 $0xF7A, s2;
	p2 =	seq.s32 @!p0 s5, $0x0  }
0x1f: {  	s9 =	smul.u32 $0xF7A, s1;
	s8 =	simm.s32 @!p0 $0x1BF5;
	p2 =	por !p2, p0  }
0x20: {  	[sflag:s8] =	ssyncset.s32 @!p0 $0xFFFFF086;
	s6 =	sadd.s32 @!p0 s3, s7;
	s7 =	simm.s32 @!p0 $0x108  }
0x21: {  	s3 =	sadd.s32 s3, s9;
	s6 =	sadd.s32 @!p0 $0x88, s6;
	s7 =	simm.s32 @p2 $0x1082  }
0x22: {  	[simem:s7], [sflag:s8] =	dma.local @!p0 [hbm:s6], $0xF7A  }
0x23: {  	s9 =	sor.u32 $0xD0000000, s2;
	s6 =	simm.s32 $0x108;
	_ =	swait.ge @!p0 [sflag:s8], $0x0  }
0x24: {  	s3 =	sadd.s32 $0x88, s3;
	s6 =	simm.s32 @!p1 $0x1082;
	[sflag:s4] =	ssyncset.s32 $0xFFFFF086  }
0x25: {  	[simem:s6], [sflag:s4] =	dma.local [hbm:s3], $0xF7A  }
0x26: {  	[smem:$0x3F99] =	sst s1;
	(tag) =	ssettag s2;
	_ =	strace s9  }
0x27: {  	s1 =	sld [smem:$0x3FA9]  }
0x28: {  	s2 =	sld [smem:$0x3FAA]  }
0x29: {  	s4 =	sld [smem:$0x3FAC]  }
0x2a: {  	p0 =	seq.s32 s5, $0x0;
	s5 =	sld [smem:$0x3FAD]  }
0x2b: {  	s6 =	sld [smem:$0x3FAE]  }
0x2c: {  	s7 =	sld [smem:$0x3FAF]  }
0x2d: {  	s3 =	simm.s32 $0x108;
	s8 =	sld [smem:$0x3FB0]  }
0x2e: {  	s3 =	simm.s32 @!p0 $0x1082;
	s9 =	sld [smem:$0x3FB1]  }
0x2f: {  	lr =	sadd.s32 s0, s3;
	s0 =	sld [smem:$0x3FA8]  }
0x30: {  	s3 =	sld [smem:$0x3FAB]  }
0x31: {  	[smem:$0x3FB4] =	sst s10  }
0x32: {  	s10 =	sld [smem:$0x3FB2];
	_ =	sdelay $0x3  }
0x33: {  	p0 =	seq.s32 s10, $0x1;
	s10 =	sld [smem:$0x3FB4];
	_ =	sdelay $0x3  }
0x34: {  	[smem:$0x3FB4] =	sst s10  }
0x35: {  	s10 =	sld [smem:$0x3FB3];
	_ =	sdelay $0x3  }
0x36: {  	p1 =	seq.s32 s10, $0x1;
	s10 =	sld [smem:$0x3FB4];
	_ =	sdelay $0x3  }
0x37: {  	[smem:$0x3FB4] =	sst s10  }
0x38: {  	s10 =	sld [smem:$0x3FB5]  }
0x39: {  	_ = 	snop;
	(pc) =	sbr.ind lr, $3  }
0x3a: {  	_ = 	snop  }
0x3b: {  	_ = 	snop  }
0x3c: {  	p2 =	seq.s32 s10, $0x1;
	s10 =	sld [smem:$0x3FB4]  }
0x3d: {  	_ =	shalt  }
0x3e: {  	_ =	shalt  }
0x3f: {  	_ =	shalt  }
0x40: {  	_ =	shalt  }
0x41: {  	_ =	shalt  }
0x42: {  	_ =	shalt  }
0x43: {  	_ =	shalt  }
0x44: {  	_ =	shalt  }
0x45: {  	_ =	shalt  }
0x46: {  	_ =	shalt  }
0x47: {  	_ =	shalt  }
0x48: {  	_ =	shalt  }
0x49: {  	_ =	shalt  }
0x4a: {  	_ =	shalt  }
0x4b: {  	_ =	shalt  }
0x4c: {  	_ =	shalt  }
0x4d: {  	_ =	shalt  }
0x4e: {  	_ =	shalt  }
0x4f: {  	_ =	shalt  }
0x50: {  	_ =	shalt  }
0x51: {  	_ =	shalt  }
0x52: {  	_ =	shalt  }
0x53: {  	_ =	shalt  }
0x54: {  	_ =	shalt  }
0x55: {  	_ =	shalt  }
0x56: {  	_ =	shalt  }
0x57: {  	_ =	shalt  }
0x58: {  	_ =	shalt  }
0x59: {  	_ =	shalt  }
0x5a: {  	_ =	shalt  }
0x5b: {  	_ =	shalt  }
0x5c: {  	_ =	shalt  }
0x5d: {  	_ =	shalt  }
0x5e: {  	_ =	shalt  }
0x5f: {  	_ =	shalt  }
0x60: {  	_ =	shalt  }
0x61: {  	_ =	shalt  }
0x62: {  	_ =	shalt  }
0x63: {  	_ =	shalt  }
0x64: {  	_ =	shalt  }
0x65: {  	_ =	shalt  }
0x66: {  	_ =	shalt  }
0x67: {  	_ =	shalt  }
0x68: {  	_ =	shalt  }
0x69: {  	_ =	shalt  }
0x6a: {  	_ =	shalt  }
0x6b: {  	_ =	shalt  }
0x6c: {  	_ =	shalt  }
0x6d: {  	_ =	shalt  }
0x6e: {  	_ =	shalt  }
0x6f: {  	_ =	shalt  }
0x70: {  	_ =	shalt  }
0x71: {  	_ =	shalt  }
0x72: {  	_ =	shalt  }
0x73: {  	_ =	shalt  }
0x74: {  	_ =	shalt  }
0x75: {  	_ =	shalt  }
0x76: {  	_ =	shalt  }
0x77: {  	_ =	shalt  }
0x78: {  	_ =	shalt  }
0x79: {  	_ =	shalt  }
0x7a: {  	_ =	shalt  }
0x7b: {  	_ =	shalt  }
0x7c: {  	_ =	shalt  }
0x7d: {  	_ =	shalt  }
0x7e: {  	_ =	shalt  }
0x7f: {  	_ =	shalt  }
0x80: {  	_ =	shalt  }
0x81: {  	_ =	shalt  }
0x82: {  	_ =	shalt  }
0x83: {  	_ =	shalt  }
0x84: {  	_ =	shalt  }
0x85: {  	_ =	shalt  }
0x86: {  	_ =	shalt  }
0x87: {  	_ =	shalt  }
.Lfunc_end0:
.L_simem_size_0:
called_computation_lowered:
.L_overlay_start_0:
0x88: {  	s2 =	sld [smem:$0x3FD9]  }
0x89: {  	s3 =	sld [smem:$0x3FFE];
	_ =	sdelay $0x1  }
0x8a: {  	s1 =	srdreg.scid  }
0x8b: {  	s0 =	sand.u32 $0x1, s1  }
0x8c: {  	s17 =	sshll.u32 s0, $0xA;
	s2 =	sadd.s32 s3, s2  }
0x8d: {  	s2 =	sadd.s32 s2, s17  }
0x8e: {  	[smem:$0x3FC0] =	sst s2  }
0x8f: {  	_ = 	snop  }
0x90: {  	(tm) =	ssettm $0x1  }
0x91: {  	s18 =	sld [smem:$0x3FFB];
	_ =	sdelay $0x3  }
0x92: {  	_ =	strace s18  }
0x93: {  	s2 =	sld [smem:$0x3FFC];
	_ =	sdelay $0x3  }
0x94: {  	_ =	strace s2  }
0x95: {  	s2 =	sld [smem:$0x3FFD];
	_ =	sdelay $0x3  }
0x96: {  	_ =	strace s2  }
0x97: {  	_ =	strace $0x8FFFFFFF  }
0x98: {  	s19 =	sld [smem:$0x3FDB];
	_ =	sdelay $0x1  }
0x99: {  	s20 =	simm.s32 $_scs_section_size  }
0x9a: {  	s4 =	simm.s32 $_size__tile_overlayer_lowered;
	s5 =	simm.s32 $_tile_overlayer_lowered  }
0x9b: {  	s6 =	simm.s32 $0x1BFF;
	s21 =	sshll.u32 s5, $0x1;
	s3 =	sadd.s32 s20, s19  }
0x9c: {  	s22 =	simm.s32 $0x0;
	s4 =	sshll.u32 s4, $0x1;
	s5 =	sadd.s32 s21, s3  }
0x9d: {  	[timem:s22], [sflag:s6] =	dma.local [hbm:s5], s4  }
0x9e: {  	_ =	swait.ge [sflag:s6], s4  }
0x9f: {  	s4 =	ssub.s32 $0x0, s4;
	[sflag:s6] =	ssyncset.done $0x0  }
0xa0: {  	[sflag:s6] =	ssyncadd.s32 s4;
	_ =	sdelay $0x1  }
0xa1: {  	s23 =	simm.s32 $0x1B8B  }
0xa2: {  	_ =	swait.ge [sflag:s23], $0x1  }
0xa3: {  	[sflag:s23] =	ssyncset.done $0x0  }
0xa4: {  	[sflag:s23] =	ssyncadd.s32 $0xFFFFFFFF  }
0xa5: {  	s4 =	sld [smem:$0x0]  }
0xa6: {  	s5 =	sand.u32 $0xFFFFFFFE, s1  }
0xa7: {  	p0 =	sne.s32 s1, s5  }
0xa8: {  	s5 =	sshll.u32 @p0 s5, $0xE  }
0xa9: {  	s5 =	sadd.s32 @p0 $0x11B8D, s5;
	s6 =	sshll.u32 @p0 s4, $0x11  }
0xaa: {  	s5 =	sor.u32 @p0 s6, s5  }
0xab: {  	[sflag:s5] =	ssyncadd.remote.s32 @p0 $0x1;
	_ =	sdelay $0x1  }
0xac: {  	s5 =	simm.s32 @p0 $0x1B8D  }
0xad: {  	_ =	swait.eq @p0 [sflag:s5], $0x1  }
0xae: {  	[sflag:s5] =	ssyncadd.s32 @p0 $0xFFFFFFFF  }
0xaf: {  	s6 =	sshll.u32 @!p0 s1, $0xE  }
0xb0: {  	s6 =	sor.u32 @!p0 $0x4000, s6;
	s5 =	simm.s32 @!p0 $0x1B8D  }
0xb1: {  	s4 =	sshll.u32 @!p0 s4, $0x11;
	s6 =	sadd.s32 @!p0 $0x11B8D, s6;
	_ =	swait.eq @!p0 [sflag:s5], $0x1  }
0xb2: {  	s4 =	sor.u32 @!p0 s4, s6;
	[sflag:s5] =	ssyncadd.s32 @!p0 $0xFFFFFFFF  }
0xb3: {  	s25 =	simm.s32 $0x1B8E;
	s24 =	sld [smem:$0x3FFE];
	[sflag:s4] =	ssyncadd.remote.s32 @!p0 $0x1  }
0xb4: {  	s26 =	simm.s32 $execute0_lowered;
	[smem:$0x3FD2] =	sst s25  }
0xb5: {  	s5 =	sshll.u32 s26, $0x1;
	_ =	strace $0x80000049;
	[dreg:$0x1] =	wrdreg $0xFFFFFFFF  }
0xb6: {  	s28 =	simm.s32 $_size_execute0_lowered;
	s3 =	sadd.s32 s3, s5;
	[dreg:$0x0] =	wrdreg $0x0  }
0xb7: {  	s5 =	sshll.u32 s28, $0x1;
	[dreg:$0x2] =	wrdreg s3  }
0xb8: {  	[dreg:$0x3] =	wrdreg s5  }
0xb9: {  	[dreg:$0x4] =	wrdreg $0xC0  }
0xba: {  	_ =	task [dreg:s22], $0x5FFFF  }
0xbb: {  	[dreg:$0x1] =	wrdreg $0xFFFFFFFF  }
0xbc: {  	[dreg:$0x0] =	wrdreg $0x60  }
0xbd: {  	[dreg:$0x2] =	wrdreg s24  }
0xbe: {  	[dreg:$0x3] =	wrdreg $0x41000  }
0xbf: {  	[dreg:$0x4] =	wrdreg $0x9  }
0xc0: {  	_ =	task.clear_ibuf [dreg:s22], $0x5FFFF;
	_ =	strace $0x90000049  }
0xc1: {  	s29 =	simm.s32 $0x9;
	_ =	strace $0x8000004B  }
0xc2: {  	_ =	swait.ge [sflag:s29], $0x1  }
0xc3: {  	[sflag:s29] =	ssyncadd.s32 $0xFFFFFFFF  }
0xc4: {  	_ =	strace $0x9000004B  }
0xc5: {  	_ =	sfence  }
0xc6: {  	s30 =	sld [smem:$0x0];
	_ =	sdelay $0x2  }
0xc7: {  	s31 =	sshll.u32 s1, $0xD;
	s1 =	sshrl.u32 s1, $0x2  }
0xc8: {  	s4 =	sand.u32 $0x4000, s31;
	s1 =	sadd.s32 s1, s30  }
0xc9: {  	s0 =	sor.u32 s4, s0;
	s1 =	sshll.u32 s1, $0x11  }
0xca: {  	s0 =	sor.u32 s1, s0  }
0xcb: {  	s0 =	sadd.s32 $0x8F2B, s0  }
0xcc: {  	[sflag:s0] =	ssyncadd.remote.s32 $0x1  }
0xcd: {  	_ =	sfence.sel $0xFFFF  }
0xce: {  	[dreg:$0x0] =	wrdreg $0xFFFFFFFF;
	(pc) =	sbr.abs _section_cstart, $3  }
0xcf: {  	[dreg:$0x1] =	wrdreg $0xFFFFFFFF  }
0xd0: {  	_ =	task.clear_ibuf [dreg:s22], $0x2FFFF;
	_ =	strace $0x9FFFFFFF  }
0xd1: {  	(tm) =	ssettm $0x7FFFFFFF  }
tec
execute0_lowered:
.L_overlay_start_1:
0x0: {  	(tag) =	ssettag $0x1  }
0x1: {  	s4 =	rddreg [dreg:$0x0]  }
0x2: {  	s1 =	rddreg [dreg:$0x1]  }
0x3: {  	s2 =	srdreg.scid;
	s0 =	rddreg [dreg:$0x2];
	s3 =	simm.s32 $0x0  }
0x4: {  	s15 =	simm.s32 $0x5;
	s16 =	simm.s32 $0x80;
	s5 =	sand.u32 $0x1, s2  }
0x5: {  	s17 =	simm.s32 $0x1;
	s2 =	stileid.u32;
	s6 =	smul.u32 $0x1400, s5  }
0x6: {  	s18 =	simm.s32 $0x2;
	s19 =	simm.s32 $0x3;
	s7 =	smul.u32 $0x140, s2  }
0x7: {  	s20 =	simm.s32 $0x4;
	s22 =	simm.s32 $0x0;
	s29 =	smul.u32 $0x4F00, s2  }
0x8: {  	[smem:$0x7FF] =	sst s3;
	s13 =	sadd.s32 $0x15600, s4;
	s9 =	smul.u32 $0x50000, s2  }
0x9: {  	_ =	strace $0x8000004A;
	s5 =	ssub.s32 $0x2, s5;
	s14 =	smul.u32 $0x9E0, s2  }
0xa: {  	s30 =	sshrl.u32 s5, $0x1;
	s7 =	sadd.s32 s7, s6;
	s6 =	sshrl.u32 s29, $0x3  }
0xb: {  	s10 =	ssub.s32 s5, s30;
	s31 =	sshrl.u32 s9, $0x2;
	s8 =	sshll.u32 s7, $0x4  }
0xc: {  	s5 =	sadd.s32 s31, s1;
	s7 =	sshll.u32 s7, $0x7;
	s8 =	sadd.s32 s8, s4  }
0xd: {  	s4 =	sadd.s32 s13, s6;
	s21 =	sadd.s32 s7, s1;
	s9 =	sadd.s32 $0x4000, s5  }
0xe: {  	s11 =	sadd.s32 $0xC000, s5;
	s12 =	sadd.s32 $0x10000, s5;
	s13 =	sadd.s32 s14, s13  }
0xf: {  	s14 =	simm.s32 $0x100;
	s6 =	sadd.s32 $0x10, s4;
	s7 =	sadd.s32 $0x6F400, s8  }
0x10: {  	v0 =	vimm.f32 $0.0e+00;
	v1 =	vimm.f32 $1.000000000e+00;
	s8 =	smax.u32 s10, $0x1;
	s10 =	sadd.s32 $0x8000, s5;
	s21 =	sshrl.u32 s21, $0x3  }
.LBB2_1:
0x11: {  	s23 =	simm.s32 $0x0;
	s24 =	simm.s32 $0x200  }
.LBB2_2:
0x12: {  	p0 =	sne.s32 s24, $0xFE00;
	[tilespmem:s23+$0x170] =	vst v0  }
0x13: {  	[tilespmem:s23+$0x100] =	vst v0  }
0x14: {  	[tilespmem:s23+$0x110] =	vst v0  }
.Ltmp0:
0x15: {  	[tilespmem:s23+$0x120] =	vst v0;
	(pc) =	sbr.rel @p0 .LBB2_2-.Ltmp0, $4  }
0x16: {  	[tilespmem:s23+$0x130] =	vst v0  }
0x17: {  	[tilespmem:s23+$0x140] =	vst v0  }
0x18: {  	[tilespmem:s23+$0x150] =	vst v0  }
0x19: {  	[tilespmem:s23+$0x160] =	vst v0;
	s23 =	sshra.s32 s24, $0x2;
	s24 =	sadd.s32 $0x200, s24  }
0x1a: {  	[tilespmem:s23+$0x170] =	vst v0  }
0x1b: {  	[tilespmem:s23+$0x100] =	vst v0  }
0x1c: {  	[tilespmem:s23+$0x110] =	vst v0  }
0x1d: {  	[tilespmem:s23+$0x120] =	vst v0  }
0x1e: {  	[tilespmem:s23+$0x130] =	vst v0  }
0x1f: {  	[tilespmem:s23+$0x140] =	vst v0  }
0x20: {  	[tilespmem:s23+$0x150] =	vst v0  }
0x21: {  	[tilespmem:s23+$0x160] =	vst v0  }
0x22: {  	[spmem:s5] =	stream.linear.scatter [tilespmem:s14], [sflag:$0x5], $0x4000, $0x38;
	[tilespmem:$0x18100] =	vst v63  }
0x23: {  	_ =	swait.ge [sflag:s15], $0x4000  }
0x24: {  	[sflag:s15] =	ssyncset.done $0x0  }
0x25: {  	[sflag:s15] =	ssyncadd.s32 $0xFFFFC000  }
0x26: {  	[spmem:s9] =	stream.linear.scatter [tilespmem:s14], [sflag:$0x5], $0x4000, $0x38;
	[tilespmem:$0x18100] =	vst v63  }
0x27: {  	_ =	swait.ge [sflag:s15], $0x4000  }
0x28: {  	[sflag:s15] =	ssyncset.done $0x0  }
0x29: {  	[sflag:s15] =	ssyncadd.s32 $0xFFFFC000  }
0x2a: {  	[spmem:s10] =	stream.linear.scatter [tilespmem:s14], [sflag:$0x5], $0x4000, $0x38;
	[tilespmem:$0x18100] =	vst v63  }
0x2b: {  	_ =	swait.ge [sflag:s15], $0x4000  }
0x2c: {  	[sflag:s15] =	ssyncset.done $0x0  }
0x2d: {  	[sflag:s15] =	ssyncadd.s32 $0xFFFFC000  }
0x2e: {  	[spmem:s11] =	stream.linear.scatter [tilespmem:s14], [sflag:$0x5], $0x4000, $0x38;
	[tilespmem:$0x18100] =	vst v63  }
0x2f: {  	_ =	swait.ge [sflag:s15], $0x4000  }
0x30: {  	[sflag:s15] =	ssyncset.done $0x0  }
0x31: {  	[sflag:s15] =	ssyncadd.s32 $0xFFFFC000  }
0x32: {  	[spmem:s12] =	stream.linear.scatter [tilespmem:s14], [sflag:$0x5], $0x4000, $0x38;
	[tilespmem:$0x18100] =	vst v63  }
0x33: {  	_ =	swait.ge [sflag:s15], $0x4000  }
0x34: {  	[sflag:s15] =	ssyncset.done $0x0  }
0x35: {  	s23 =	simm.s32 $0x0;
	s24 =	simm.s32 $0x200;
	[sflag:s15] =	ssyncadd.s32 $0xFFFFC000  }
.LBB2_4:
0x36: {  	p0 =	sne.s32 s24, $0xFE00;
	[tilespmem:s23+$0x170] =	vst v1  }
0x37: {  	[tilespmem:s23+$0x100] =	vst v1  }
0x38: {  	[tilespmem:s23+$0x110] =	vst v1  }
.Ltmp1:
0x39: {  	[tilespmem:s23+$0x120] =	vst v1;
	(pc) =	sbr.rel @p0 .LBB2_4-.Ltmp1, $4  }
0x3a: {  	[tilespmem:s23+$0x130] =	vst v1  }
0x3b: {  	[tilespmem:s23+$0x140] =	vst v1  }
0x3c: {  	[tilespmem:s23+$0x150] =	vst v1  }
0x3d: {  	[tilespmem:s23+$0x160] =	vst v1;
	s23 =	sshra.s32 s24, $0x2;
	s24 =	sadd.s32 $0x200, s24  }
0x3e: {  	[tilespmem:s23+$0x170] =	vst v1  }
0x3f: {  	[tilespmem:s23+$0x100] =	vst v1  }
0x40: {  	[tilespmem:s23+$0x110] =	vst v1  }
0x41: {  	[tilespmem:s23+$0x120] =	vst v1  }
0x42: {  	[tilespmem:s23+$0x130] =	vst v1  }
0x43: {  	[tilespmem:s23+$0x140] =	vst v1  }
0x44: {  	[tilespmem:s23+$0x150] =	vst v1  }
0x45: {  	[tilespmem:s23+$0x160] =	vst v1  }
0x46: {  	[bflag:$0x0] =	sbarrier.arrive $0xFFFF  }
0x47: {  	[tilespmem:s3], [sflag:$0x1] =	stream.linear.gather [hbm4b:s4+s3], $0x80, $0x38;
	[tilespmem:$0x18100] =	vst v63  }
0x48: {  	_ = 	snop  }
0x49: {  	[tilespmem:s16], [sflag:$0x2] =	stream.linear.gather [hbm4b:s6+s3], $0x80, $0x38;
	[tilespmem:$0x18100] =	vst v63  }
0x4a: {  	_ =	swait.ge [sflag:s17], $0x80  }
0x4b: {  	[sflag:s17] =	ssyncset.done $0x0  }
0x4c: {  	[sflag:s17] =	ssyncadd.s32 $0xFFFFFF80  }
0x4d: {  	[spmem:s1] =	stream.indirect.scatter.add.f32 [tilespmem:s14], [sflag:$0x3], $0x80, s3, s16, $0xb8;
	[tilespmem:$0x18100] =	vst v63  }
0x4e: {  	_ =	swait.ge [sflag:s18], $0x80  }
0x4f: {  	[sflag:s18] =	ssyncset.done $0x0  }
0x50: {  	[sflag:s18] =	ssyncadd.s32 $0xFFFFFF80  }
0x51: {  	[spmem:s1] =	stream.indirect.scatter.add.f32 [tilespmem:s14], [sflag:$0x4], $0x80, s16, s16, $0xb8;
	[tilespmem:$0x18100] =	vst v63  }
0x52: {  	_ =	swait.ge [sflag:s19], $0x4000  }
0x53: {  	s24 =	sadd.s32 $0xFFFFF640, s13;
	[sflag:s19] =	ssyncset.done $0x0  }
0x54: {  	s31 =	sadd.s32 $0x9E0, s24;
	[sflag:s19] =	ssyncadd.s32 $0xFFFFC000  }
0x55: {  	[tilespmem:s3], [sflag:$0x1] =	stream.linear.gather [hbm4b:s31+s3], $0x80, $0x38;
	[tilespmem:$0x18100] =	vst v63  }
0x56: {  	_ =	swait.ge [sflag:s20], $0x4000  }
0x57: {  	[sflag:s20] =	ssyncset.done $0x0  }
0x58: {  	s23 =	simm.s32 $0xFFFFF660;
	s24 =	sadd.s32 $0x9F0, s24;
	[sflag:s20] =	ssyncadd.s32 $0xFFFFC000  }
.LBB2_6:
0x59: {  	[tilespmem:s16], [sflag:$0x2] =	stream.linear.gather [hbm4b:s24+s3], $0x80, $0x38;
	[tilespmem:$0x18100] =	vst v63  }
0x5a: {  	s24 =	smov.u32 s23  }
0x5b: {  	p0 =	sne.s32 s23, $0xFFFFFFE0;
	s23 =	sadd.s32 $0x20, s23;
	_ =	swait.ge [sflag:s17], $0x80  }
0x5c: {  	[sflag:s17] =	ssyncset.done $0x0  }
0x5d: {  	[sflag:s17] =	ssyncadd.s32 $0xFFFFFF80  }
0x5e: {  	[spmem:s1] =	stream.indirect.scatter.add.f32 [tilespmem:s14], [sflag:$0x3], $0x80, s3, s16, $0xb8;
	[tilespmem:$0x18100] =	vst v63  }
0x5f: {  	_ =	swait.ge [sflag:s18], $0x80  }
0x60: {  	[sflag:s18] =	ssyncset.done $0x0  }
0x61: {  	[sflag:s18] =	ssyncadd.s32 $0xFFFFFF80  }
0x62: {  	[spmem:s1] =	stream.indirect.scatter.add.f32 [tilespmem:s14], [sflag:$0x4], $0x80, s16, s16, $0xb8;
	[tilespmem:$0x18100] =	vst v63  }
0x63: {  	_ =	swait.ge [sflag:s19], $0x4000  }
0x64: {  	s24 =	sadd.s32 s24, s13;
	[sflag:s19] =	ssyncset.done $0x0  }
.Ltmp2:
0x65: {  	s25 =	sadd.s32 $0x9E0, s24;
	[sflag:s19] =	ssyncadd.s32 $0xFFFFC000;
	(pc) =	sbr.rel @p0 .LBB2_6-.Ltmp2, $4  }
0x66: {  	[tilespmem:s3], [sflag:$0x1] =	stream.linear.gather [hbm4b:s25+s3], $0x80, $0x38;
	[tilespmem:$0x18100] =	vst v63  }
0x67: {  	_ =	swait.ge [sflag:s20], $0x4000  }
0x68: {  	[sflag:s20] =	ssyncset.done $0x0  }
0x69: {  	s24 =	sadd.s32 $0x9F0, s24;
	[sflag:s20] =	ssyncadd.s32 $0xFFFFC000  }
0x6a: {  	[tilespmem:s16], [sflag:$0x2] =	stream.linear.gather [hbm4b:s24+s3], $0x80, $0x38;
	[tilespmem:$0x18100] =	vst v63  }
0x6b: {  	_ =	swait.ge [sflag:s17], $0x80  }
0x6c: {  	[sflag:s17] =	ssyncset.done $0x0  }
0x6d: {  	[sflag:s17] =	ssyncadd.s32 $0xFFFFFF80  }
0x6e: {  	[spmem:s1] =	stream.indirect.scatter.add.f32 [tilespmem:s14], [sflag:$0x3], $0x80, s3, s16, $0xb8;
	[tilespmem:$0x18100] =	vst v63  }
0x6f: {  	_ =	swait.ge [sflag:s18], $0x80  }
0x70: {  	[sflag:s18] =	ssyncset.done $0x0  }
0x71: {  	[sflag:s18] =	ssyncadd.s32 $0xFFFFFF80  }
0x72: {  	[spmem:s1] =	stream.indirect.scatter.add.f32 [tilespmem:s14], [sflag:$0x4], $0x80, s16, s16, $0xb8;
	[tilespmem:$0x18100] =	vst v63  }
0x73: {  	_ =	swait.ge [sflag:s19], $0x4000  }
0x74: {  	[sflag:s19] =	ssyncset.done $0x0  }
0x75: {  	[sflag:s19] =	ssyncadd.s32 $0xFFFFC000  }
0x76: {  	_ =	swait.ge [sflag:s20], $0x4000  }
0x77: {  	s22 =	sadd.s32 $0x1, s22;
	[sflag:s20] =	ssyncset.done $0x0  }
0x78: {  	s23 =	sshll.u32 s2, $0x6;
	p0 =	sne.s32 s22, s8;
	[sflag:s20] =	ssyncadd.s32 $0xFFFFC000  }
.Ltmp3:
0x79: {  	s23 =	sor.u32 $0x1C05, s23;
	[bflag:$0x0] =	sbarrier.arrive $0xFFFF;
	(pc) =	sbr.rel @p0 .LBB2_1-.Ltmp3, $4  }
0x7a: {  	[hbm:s7], [sflag:s23] =	dma.local [spmem:s21], $0x1400  }
0x7b: {  	_ =	swait.ge [sflag:s15], $0x1400  }
0x7c: {  	[sflag:s15] =	ssyncset.done $0x0  }
0x7d: {  	[sflag:s15] =	ssyncadd.s32 $0xFFFFEC00  }
0x7e: {  	_ =	sfence.sel $0x180000  }
0x7f: {  	[bflag:$0x0] =	sbarrier.arrive $0xFFFF  }
0x80: {  	p0 =	sne.s32 s2, $0x0;
	_ =	strace $0x9000004A  }
0x81: {  	s0 =	sadd.s32 @!p0 $0x100000, s0;
	[bflag:$0x2] =	sbarrier.arrive $0xFFFF  }
0x82: {  	[sflag:s0] =	ssyncadd.tile.s32 @!p0 $0x1;
	_ =	shalt  }
.Lfunc_end2:
_tile_overlayer_lowered:
.L_overlay_start_2:
0x83: {  	(tag) =	ssettag $0x2  }
0x84: {  	s0 =	rddreg [dreg:$0x0];
	s2 =	stileid.u32  }
0x85: {  	s1 =	rddreg [dreg:$0x1];
	p0 =	sne.s32 s2, $0x0  }
0x86: {  	s3 =	rddreg [dreg:$0x2];
	[bflag:$0x3] =	sbarrier.arrive $0xFFFF;
	s2 =	simm.s32 @!p0 $0x1C05  }
0x87: {  	[timem:s3], [sflag:s2] =	dma.local @!p0 [hbm:s0], s1  }
0x88: {  	s0 =	simm.s32 @!p0 $0x5  }
0x89: {  	_ =	swait.ge @!p0 [sflag:s0], s1  }
0x8a: {  	s1 =	ssub.s32 @!p0 $0x0, s1;
	[sflag:s0] =	ssyncset.done @!p0 $0x0  }
0x8b: {  	[sflag:s0] =	ssyncadd.s32 @!p0 s1  }
0x8c: {  	[bflag:$0x3] =	sbarrier.arrive $0xFFFF  }
0x8d: {  	_ =	shalt  }

</sc_bundles>
